<compile_context>
chip_gen: v7x
topology: tpu7x:2x2x1
jax: 0.10.2.dev20260603
libtpu: 0.0.44.dev20260713+nightly
codegen_flags: <defaults>
</compile_context>

<pallas_src>
import functools

import jax
import jax.numpy as jnp
from jax import lax
from jax.experimental import pallas as pl
from jax.experimental.pallas import tpu as pltpu
from jax.experimental.pallas import tpu_sc as plsc
B = 2
S = 4096
D_MODEL = 1024
HEAD_DIM = 128
HALF = HEAD_DIM // 2

NC = 2
NS = 16
NW = NC * NS
ROWS = B * S
RPW = ROWS // NW
CHUNK = 32
NCHUNK = RPW // CHUNK
GNB = 3

MASK_BS = 256
NBUF = 4
NBLK = S // MASK_BS
NEG = float(jnp.finfo(jnp.float32).min)

_sc_mesh = plsc.VectorSubcoreMesh(core_axis_name="c", subcore_axis_name="s")


WPB = S // RPW


@functools.partial(
    pl.kernel,
    mesh=_sc_mesh,
    out_type=jax.ShapeDtypeStruct((B, S, D_MODEL), jnp.float32),
    scratch_types=[
        pltpu.VMEM((GNB, CHUNK), jnp.int32),
        pltpu.VMEM((GNB, CHUNK, D_MODEL), jnp.float32),
        pltpu.SemaphoreType.DMA((GNB,)),
        pltpu.SemaphoreType.DMA((GNB,)),
    ],
)
def _sc_gather(ids_hbm, table_hbm, out_hbm, idx_v, rows_v, gsem, wsem):
    wid = lax.axis_index("s") * NC + lax.axis_index("c")
    b = wid // WPB
    r0 = (wid % WPB) * RPW

    def _wb(c):
        s = c % GNB
        off = r0 + c * CHUNK
        return pltpu.make_async_copy(
            rows_v.at[s], out_hbm.at[b, pl.ds(off, CHUNK), :], wsem.at[s])

    def _gwait(c):
        s = c % GNB
        pltpu.make_async_copy(
            table_hbm.at[idx_v.at[s]], rows_v.at[s], gsem.at[s]).wait()

    for c in range(NCHUNK):
        s = c % GNB
        if c >= GNB:
            _wb(c - GNB).wait()
        pltpu.sync_copy(ids_hbm.at[b, pl.ds(r0 + c * CHUNK, CHUNK)], idx_v.at[s])
        pltpu.async_copy(table_hbm.at[idx_v.at[s]], rows_v.at[s], gsem.at[s])
        if c >= 1:
            _gwait(c - 1)
            _wb(c - 1).start()
    _gwait(NCHUNK - 1)
    _wb(NCHUNK - 1).start()
    for c in range(NCHUNK - GNB, NCHUNK):
        _wb(c).wait()


def _mask_body(am_ref, invf_ref, out_ref, cos_ref, sin_ref, pos_ref,
               cache_ref, bufs, sems):
    b = pl.program_id(0)
    i = pl.program_id(1)
    k = b * NBLK + i
    buf = k % NBUF

    def _dma(j, bb, ii):
        return pltpu.make_async_copy(
            bufs.at[j],
            out_ref.at[bb, pl.ds(ii * MASK_BS, MASK_BS), :],
            sems.at[j],
        )

    @pl.when(k >= NBUF)
    def _():
        _dma(buf, b, i).wait()

    rows = lax.broadcasted_iota(jnp.int32, (MASK_BS, S), 0) + i * MASK_BS
    cols = lax.broadcasted_iota(jnp.int32, (MASK_BS, S), 1)
    pad_row = jnp.where(b == 0, am_ref[0, :], am_ref[1, :])
    pad = (pad_row == 0)[None, :]
    m = (cols > rows) | pad
    bufs[buf] = jnp.where(m, NEG, 0.0).astype(jnp.float32)
    _dma(buf, b, i).start()

    @pl.when(k == 0)
    def _():
        NQ = S // 64
        w_half = invf_ref[0, :][None, :]
        w = jnp.concatenate([w_half, w_half], axis=-1)
        q_ang = (lax.broadcasted_iota(jnp.int32, (NQ, HEAD_DIM), 0) * 64
                 ).astype(jnp.float32) * w
        r_ang = lax.broadcasted_iota(jnp.int32, (64, HEAD_DIM), 0
                                     ).astype(jnp.float32) * w
        cq = jnp.cos(q_ang)[:, None, :]
        sq = jnp.sin(q_ang)[:, None, :]
        cr = jnp.cos(r_ang)[None, :, :]
        sr = jnp.sin(r_ang)[None, :, :]
        cos_ref[0] = (cq * cr - sq * sr).reshape(S, HEAD_DIM)
        sin_ref[0] = (sq * cr + cq * sr).reshape(S, HEAD_DIM)
        ids = lax.broadcasted_iota(jnp.int32, (1, S), 1)
        pos_ref[...] = ids
        cache_ref[...] = ids

    @pl.when(k == B * NBLK - 1)
    def _():
        for j in range(NBUF):
            _dma(j, b, i).wait()


def kernel(input_ids, attention_mask, embed_table, inv_freq):
    hidden = _sc_gather(input_ids, embed_table)

    mask3, cos, sin, pos, cache = pl.pallas_call(
        _mask_body,
        grid=(B, NBLK),
        in_specs=[
            pl.BlockSpec((B, S), lambda b, i: (0, 0)),
            pl.BlockSpec((1, HALF), lambda b, i: (0, 0)),
        ],
        out_specs=[
            pl.BlockSpec(memory_space=pl.ANY),
            pl.BlockSpec((1, S, HEAD_DIM), lambda b, i: (0, 0, 0)),
            pl.BlockSpec((1, S, HEAD_DIM), lambda b, i: (0, 0, 0)),
            pl.BlockSpec((1, S), lambda b, i: (0, 0)),
            pl.BlockSpec((1, S), lambda b, i: (0, 0)),
        ],
        out_shape=[
            jax.ShapeDtypeStruct((B, S, S), jnp.float32),
            jax.ShapeDtypeStruct((1, S, HEAD_DIM), jnp.float32),
            jax.ShapeDtypeStruct((1, S, HEAD_DIM), jnp.float32),
            jax.ShapeDtypeStruct((1, S), jnp.int32),
            jax.ShapeDtypeStruct((1, S), jnp.int32),
        ],
        scratch_shapes=[
            pltpu.VMEM((NBUF, MASK_BS, S), jnp.float32),
            pltpu.SemaphoreType.DMA((NBUF,)),
        ],
    )(attention_mask, inv_freq.reshape(1, HALF))
    causal_mask = mask3[:, None, :, :]

    return (hidden, causal_mask, pos, cache.reshape(S), cos, sin)

# --- scband reference (transcript-rebuilt; emitter-appended) ---
"""Pipeline reference for scband-qwen3-input-pipe-53051436040672 (READ-ONLY COPY).

The authoritative reference and input builder live on the scoring server;
editing this copy changes nothing except your own understanding.
"""

import jax, jax.numpy as jnp
import numpy as np

VOCAB = 151936
D_MODEL = 1024
HEAD_DIM = 128
THETA = 1000000.0
B, S = 2, 4096


def setup_inputs(seed: int = 0) -> dict:
    key = jax.random.key(seed)
    k1, k2 = jax.random.split(key)
    input_ids = jax.random.randint(k1, (B, S), 0, VOCAB, dtype=jnp.int32)
    attention_mask = jnp.ones((B, S), dtype=jnp.int32)
    embed_table = jax.random.normal(k2, (VOCAB, D_MODEL), dtype=jnp.float32) * 0.02
    inv_freq = 1.0 / (THETA ** (jnp.arange(0, HEAD_DIM, 2, dtype=jnp.float32) / HEAD_DIM))
    return {"input_ids": input_ids, "attention_mask": attention_mask, "embed_table": embed_table, "inv_freq": inv_freq}


def reference(input_ids, attention_mask, embed_table, inv_freq):
    b, s = input_ids.shape
    # 1. embedding lookup (inputs_embeds = embed_tokens(input_ids))
    hidden_states = jnp.take(embed_table, input_ids, axis=0)
    # 2. cache_position / position_ids (no past_key_values -> past_seen = 0)
    cache_position = jnp.arange(0, s, dtype=jnp.int32)
    position_ids = cache_position[None, :]
    # 3. causal mask mapping ('full_attention'), HF-style additive float mask [B,1,S,S]
    causal = jnp.triu(jnp.ones((s, s), dtype=bool), k=1)
    padding = (attention_mask == 0)[:, None, None, :]
    min_val = jnp.finfo(jnp.float32).min
    causal_mask = jnp.where(causal[None, None, :, :] | padding, min_val, 0.0).astype(jnp.float32)
    # 4. rotary position embeddings (Qwen3RotaryEmbedding): cos/sin of [B,S,head_dim]
    freqs = position_ids[:, :, None].astype(jnp.float32) * inv_freq[None, None, :]
    emb = jnp.concatenate([freqs, freqs], axis=-1)
    cos = jnp.cos(emb)
    sin = jnp.sin(emb)
    return (hidden_states, causal_mask, position_ids, cache_position, cos, sin)

if __name__ == "__main__":
    import jax
    _d = setup_inputs()
    print(jax.jit(kernel)(*tuple(_d.values())))

</pallas_src>

<mosaic_0001>
#map = affine_map<(d0, d1) -> (0, 0)>
#map1 = affine_map<(d0, d1) -> (0, 0, 0)>
module attributes {stable_mosaic.version = 14 : i64} {
  func.func @_sc_gather(%arg0: i32, %arg1: i32, %arg2: memref<2x4096xi32, #tpu.memory_space<hbm>>, %arg3: memref<151936x1024xf32, #tpu.memory_space<hbm>>, %arg4: memref<2x4096x1024xf32, #tpu.memory_space<hbm>>, %arg5: memref<3x32xi32, #tpu.memory_space<vmem>>, %arg6: memref<3x32x1024xf32, #tpu.memory_space<vmem>>, %arg7: memref<3x!tpu.dma_semaphore, #tpu.memory_space<semaphore_mem>>, %arg8: memref<3x!tpu.dma_semaphore, #tpu.memory_space<semaphore_mem>>) attributes {dimension_semantics = [#tpu.dimension_semantics<core_parallel>, #tpu.dimension_semantics<subcore_parallel>], iteration_bounds = array<i64: 2, 16>, scalar_prefetch = 0 : i64, scratch_operands = 4 : i64, tpu.core_type = #tpu.core_type<sc_vector_subcore>, window_params = [{transform_indices = #map}, {transform_indices = #map}, {transform_indices = #map1}]} {
    %mul3A = arith.constant 2 : i32
    %mul3A_0 = arith.muli %arg1, %mul3A : i32
    %add3A = arith.addi %mul3A_0, %arg0 : i32
    %jit3A = arith.constant 16 : i32
    %div3A = arith.divsi %add3A, %jit3A : i32
    %sign3A = arith.constant 0 : i32
    %sign3A_1 = arith.cmpi sgt, %add3A, %sign3A : i32
    %sign3A_2 = arith.extui %sign3A_1 : i1 to i32
    %sign3A_3 = arith.constant 0 : i32
    %sign3A_4 = arith.cmpi slt, %add3A, %sign3A_3 : i32
    %sign3A_5 = arith.extui %sign3A_4 : i1 to i32
    %sign3A_6 = arith.subi %sign3A_2, %sign3A_5 : i32
    %sign3A_7 = arith.constant 0 : i32
    %sign3A_8 = arith.cmpi sgt, %jit3A, %sign3A_7 : i32
    %sign3A_9 = arith.extui %sign3A_8 : i1 to i32
    %sign3A_10 = arith.constant 0 : i32
    %sign3A_11 = arith.cmpi slt, %jit3A, %sign3A_10 : i32
    %sign3A_12 = arith.extui %sign3A_11 : i1 to i32
    %sign3A_13 = arith.subi %sign3A_9, %sign3A_12 : i32
    %ne3A = arith.cmpi ne, %sign3A_6, %sign3A_13 : i32
    %rem3A = arith.remsi %add3A, %jit3A : i32
    %ne3A_14 = arith.constant 0 : i32
    %ne3A_15 = arith.cmpi ne, %rem3A, %ne3A_14 : i32
    %and3A = arith.andi %ne3A, %ne3A_15 : i1
    %sub3A = arith.constant 1 : i32
    %sub3A_16 = arith.subi %div3A, %sub3A : i32
    %select_n3A = arith.select %and3A, %sub3A_16, %div3A : i32
    %jit3A_17 = arith.constant 16 : i32
    %eq3A = arith.constant 0 : i32
    %eq3A_18 = arith.cmpi eq, %jit3A_17, %eq3A : i32
    %jit3A_19 = arith.constant 1 : i32
    %select_n3A_20 = arith.select %eq3A_18, %jit3A_19, %jit3A_17 : i32
    %rem3A_21 = arith.remsi %add3A, %select_n3A_20 : i32
    %ne3A_22 = arith.constant 0 : i32
    %ne3A_23 = arith.cmpi ne, %rem3A_21, %ne3A_22 : i32
    %lt3A = arith.constant 0 : i32
    %lt3A_24 = arith.cmpi slt, %rem3A_21, %lt3A : i32
    %lt3A_25 = arith.constant 0 : i32
    %lt3A_26 = arith.cmpi slt, %select_n3A_20, %lt3A_25 : i32
    %ne3A_27 = arith.xori %lt3A_24, %lt3A_26 : i1
    %and3A_28 = arith.andi %ne3A_27, %ne3A_23 : i1
    %add3A_29 = arith.addi %rem3A_21, %select_n3A_20 : i32
    %select_n3A_30 = arith.select %and3A_28, %add3A_29, %rem3A_21 : i32
    %mul3A_31 = arith.constant 256 : i32
    %mul3A_32 = arith.muli %select_n3A_30, %mul3A_31 : i32
    %add3A_33 = arith.constant 0 : i32
    %add3A_34 = arith.addi %mul3A_32, %add3A_33 : i32
    %run_scoped3A = arith.constant 0 : i32
    "tpu.region"() ({
      %run_scoped3A_614 = tpu.sem_alloc : memref<!tpu.dma_semaphore, #tpu.memory_space<semaphore_mem>>
      %dma_start3A_615 = arith.constant 0 : i32
      %dma_start3A_616 = tpu.memref_slice %arg5[%run_scoped3A, %dma_start3A_615] : memref<3x32xi32, #tpu.memory_space<vmem>> -> memref<1x32xi32, #tpu.memory_space<vmem>>
      %dma_start3A_617 = tpu.memref_squeeze %dma_start3A_616 : memref<1x32xi32, #tpu.memory_space<vmem>> -> memref<32xi32, #tpu.memory_space<vmem>>
      %dma_start3A_618 = tpu.memref_slice %arg2[%select_n3A, %add3A_34] : memref<2x4096xi32, #tpu.memory_space<hbm>> -> memref<1x32xi32, #tpu.memory_space<hbm>>
      %dma_start3A_619 = tpu.memref_squeeze %dma_start3A_618 : memref<1x32xi32, #tpu.memory_space<hbm>> -> memref<32xi32, #tpu.memory_space<hbm>>
      %dma_start3A_620 = arith.constant 0 : i32
      %dma_start3A_621 = tpu.memref_slice %arg5[%run_scoped3A, %dma_start3A_620] : memref<3x32xi32, #tpu.memory_space<vmem>> -> memref<1x32xi32, #tpu.memory_space<vmem>>
      %dma_start3A_622 = tpu.memref_squeeze %dma_start3A_621 : memref<1x32xi32, #tpu.memory_space<vmem>> -> memref<32xi32, #tpu.memory_space<vmem>>
      %dma_start3A_623 = tpu.memref_slice %arg2[%select_n3A, %add3A_34] : memref<2x4096xi32, #tpu.memory_space<hbm>> -> memref<1x32xi32, #tpu.memory_space<hbm>>
      %dma_start3A_624 = tpu.memref_squeeze %dma_start3A_623 : memref<1x32xi32, #tpu.memory_space<hbm>> -> memref<32xi32, #tpu.memory_space<hbm>>
      tpu.enqueue_dma source(%dma_start3A_624 : memref<32xi32, #tpu.memory_space<hbm>>) target(%dma_start3A_622 : memref<32xi32, #tpu.memory_space<vmem>>) target_semaphore(%run_scoped3A_614 : memref<!tpu.dma_semaphore, #tpu.memory_space<semaphore_mem>>)
      %dma_wait3A_625 = arith.constant 0 : i32
      %dma_wait3A_626 = tpu.memref_slice %arg5[%run_scoped3A, %dma_wait3A_625] : memref<3x32xi32, #tpu.memory_space<vmem>> -> memref<1x32xi32, #tpu.memory_space<vmem>>
      %dma_wait3A_627 = tpu.memref_squeeze %dma_wait3A_626 : memref<1x32xi32, #tpu.memory_space<vmem>> -> memref<32xi32, #tpu.memory_space<vmem>>
      %dma_wait3A_628 = tpu.memref_slice %arg2[%select_n3A, %add3A_34] : memref<2x4096xi32, #tpu.memory_space<hbm>> -> memref<1x32xi32, #tpu.memory_space<hbm>>
      %dma_wait3A_629 = tpu.memref_squeeze %dma_wait3A_628 : memref<1x32xi32, #tpu.memory_space<hbm>> -> memref<32xi32, #tpu.memory_space<hbm>>
      %dma_wait3A_630 = arith.constant 0 : i32
      %dma_wait3A_631 = tpu.memref_slice %arg5[%run_scoped3A, %dma_wait3A_630] : memref<3x32xi32, #tpu.memory_space<vmem>> -> memref<1x32xi32, #tpu.memory_space<vmem>>
      %dma_wait3A_632 = tpu.memref_squeeze %dma_wait3A_631 : memref<1x32xi32, #tpu.memory_space<vmem>> -> memref<32xi32, #tpu.memory_space<vmem>>
      %dma_wait3A_633 = tpu.memref_slice %arg2[%select_n3A, %add3A_34] : memref<2x4096xi32, #tpu.memory_space<hbm>> -> memref<1x32xi32, #tpu.memory_space<hbm>>
      %dma_wait3A_634 = tpu.memref_squeeze %dma_wait3A_633 : memref<1x32xi32, #tpu.memory_space<hbm>> -> memref<32xi32, #tpu.memory_space<hbm>>
      tpu.wait_dma2 semaphore(%run_scoped3A_614 : memref<!tpu.dma_semaphore, #tpu.memory_space<semaphore_mem>>) src(%dma_wait3A_634 : memref<32xi32, #tpu.memory_space<hbm>>) dst(%dma_wait3A_632 : memref<32xi32, #tpu.memory_space<vmem>>)
      tpu.yield
    }) : () -> ()
    %dma_start3A = arith.constant 0 : i32
    %dma_start3A_35 = arith.constant 0 : i32
    %dma_start3A_36 = arith.constant 0 : i32
    %dma_start3A_37 = arith.constant 0 : i32
    %dma_start3A_38 = arith.constant 0 : i32
    %dma_start3A_39 = tpu.memref_slice %arg6[%dma_start3A_35, %dma_start3A_37, %dma_start3A_38] : memref<3x32x1024xf32, #tpu.memory_space<vmem>> -> memref<1x32x1024xf32, #tpu.memory_space<vmem>>
    %dma_start3A_40 = tpu.memref_squeeze %dma_start3A_39 : memref<1x32x1024xf32, #tpu.memory_space<vmem>> -> memref<32x1024xf32, #tpu.memory_space<vmem>>
    %dma_start3A_41 = arith.constant 0 : i32
    %dma_start3A_42 = tpu.memref_slice %arg5[%dma_start3A, %dma_start3A_41] : memref<3x32xi32, #tpu.memory_space<vmem>> -> memref<1x32xi32, #tpu.memory_space<vmem>>
    %dma_start3A_43 = tpu.memref_squeeze %dma_start3A_42 : memref<1x32xi32, #tpu.memory_space<vmem>> -> memref<32xi32, #tpu.memory_space<vmem>>
    %dma_start3A_44 = arith.constant 0 : i32
    %dma_start3A_45 = arith.constant 0 : i32
    %dma_start3A_46 = tpu.memref_slice %arg3[%dma_start3A_44, %dma_start3A_45] : memref<151936x1024xf32, #tpu.memory_space<hbm>> -> memref<151936x1024xf32, #tpu.memory_space<hbm>>
    %dma_start3A_47 = tpu.memref_slice %arg7[%dma_start3A_36] : memref<3x!tpu.dma_semaphore, #tpu.memory_space<semaphore_mem>> -> memref<1x!tpu.dma_semaphore, #tpu.memory_space<semaphore_mem>>
    %dma_start3A_48 = tpu.memref_squeeze %dma_start3A_47 : memref<1x!tpu.dma_semaphore, #tpu.memory_space<semaphore_mem>> -> memref<!tpu.dma_semaphore, #tpu.memory_space<semaphore_mem>>
    tpu.enqueue_indirect_dma source(%dma_start3A_46 : memref<151936x1024xf32, #tpu.memory_space<hbm>>) target(%dma_start3A_40 : memref<32x1024xf32, #tpu.memory_space<vmem>>) offsets(%dma_start3A_43 : memref<32xi32, #tpu.memory_space<vmem>>) semaphore(%dma_start3A_48 : memref<!tpu.dma_semaphore, #tpu.memory_space<semaphore_mem>>)
    %add3A_49 = arith.constant 32 : i32
    %add3A_50 = arith.addi %mul3A_32, %add3A_49 : i32
    %run_scoped3A_51 = arith.constant 1 : i32
    "tpu.region"() ({
      %run_scoped3A_614 = tpu.sem_alloc : memref<!tpu.dma_semaphore, #tpu.memory_space<semaphore_mem>>
      %dma_start3A_615 = arith.constant 0 : i32
      %dma_start3A_616 = tpu.memref_slice %arg5[%run_scoped3A_51, %dma_start3A_615] : memref<3x32xi32, #tpu.memory_space<vmem>> -> memref<1x32xi32, #tpu.memory_space<vmem>>
      %dma_start3A_617 = tpu.memref_squeeze %dma_start3A_616 : memref<1x32xi32, #tpu.memory_space<vmem>> -> memref<32xi32, #tpu.memory_space<vmem>>
      %dma_start3A_618 = tpu.memref_slice %arg2[%select_n3A, %add3A_50] : memref<2x4096xi32, #tpu.memory_space<hbm>> -> memref<1x32xi32, #tpu.memory_space<hbm>>
      %dma_start3A_619 = tpu.memref_squeeze %dma_start3A_618 : memref<1x32xi32, #tpu.memory_space<hbm>> -> memref<32xi32, #tpu.memory_space<hbm>>
      %dma_start3A_620 = arith.constant 0 : i32
      %dma_start3A_621 = tpu.memref_slice %arg5[%run_scoped3A_51, %dma_start3A_620] : memref<3x32xi32, #tpu.memory_space<vmem>> -> memref<1x32xi32, #tpu.memory_space<vmem>>
      %dma_start3A_622 = tpu.memref_squeeze %dma_start3A_621 : memref<1x32xi32, #tpu.memory_space<vmem>> -> memref<32xi32, #tpu.memory_space<vmem>>
      %dma_start3A_623 = tpu.memref_slice %arg2[%select_n3A, %add3A_50] : memref<2x4096xi32, #tpu.memory_space<hbm>> -> memref<1x32xi32, #tpu.memory_space<hbm>>
      %dma_start3A_624 = tpu.memref_squeeze %dma_start3A_623 : memref<1x32xi32, #tpu.memory_space<hbm>> -> memref<32xi32, #tpu.memory_space<hbm>>
      tpu.enqueue_dma source(%dma_start3A_624 : memref<32xi32, #tpu.memory_space<hbm>>) target(%dma_start3A_622 : memref<32xi32, #tpu.memory_space<vmem>>) target_semaphore(%run_scoped3A_614 : memref<!tpu.dma_semaphore, #tpu.memory_space<semaphore_mem>>)
      %dma_wait3A_625 = arith.constant 0 : i32
      %dma_wait3A_626 = tpu.memref_slice %arg5[%run_scoped3A_51, %dma_wait3A_625] : memref<3x32xi32, #tpu.memory_space<vmem>> -> memref<1x32xi32, #tpu.memory_space<vmem>>
      %dma_wait3A_627 = tpu.memref_squeeze %dma_wait3A_626 : memref<1x32xi32, #tpu.memory_space<vmem>> -> memref<32xi32, #tpu.memory_space<vmem>>
      %dma_wait3A_628 = tpu.memref_slice %arg2[%select_n3A, %add3A_50] : memref<2x4096xi32, #tpu.memory_space<hbm>> -> memref<1x32xi32, #tpu.memory_space<hbm>>
      %dma_wait3A_629 = tpu.memref_squeeze %dma_wait3A_628 : memref<1x32xi32, #tpu.memory_space<hbm>> -> memref<32xi32, #tpu.memory_space<hbm>>
      %dma_wait3A_630 = arith.constant 0 : i32
      %dma_wait3A_631 = tpu.memref_slice %arg5[%run_scoped3A_51, %dma_wait3A_630] : memref<3x32xi32, #tpu.memory_space<vmem>> -> memref<1x32xi32, #tpu.memory_space<vmem>>
      %dma_wait3A_632 = tpu.memref_squeeze %dma_wait3A_631 : memref<1x32xi32, #tpu.memory_space<vmem>> -> memref<32xi32, #tpu.memory_space<vmem>>
      %dma_wait3A_633 = tpu.memref_slice %arg2[%select_n3A, %add3A_50] : memref<2x4096xi32, #tpu.memory_space<hbm>> -> memref<1x32xi32, #tpu.memory_space<hbm>>
      %dma_wait3A_634 = tpu.memref_squeeze %dma_wait3A_633 : memref<1x32xi32, #tpu.memory_space<hbm>> -> memref<32xi32, #tpu.memory_space<hbm>>
      tpu.wait_dma2 semaphore(%run_scoped3A_614 : memref<!tpu.dma_semaphore, #tpu.memory_space<semaphore_mem>>) src(%dma_wait3A_634 : memref<32xi32, #tpu.memory_space<hbm>>) dst(%dma_wait3A_632 : memref<32xi32, #tpu.memory_space<vmem>>)
      tpu.yield
    }) : () -> ()
    %dma_start3A_52 = arith.constant 1 : i32
    %dma_start3A_53 = arith.constant 1 : i32
    %dma_start3A_54 = arith.constant 1 : i32
    %dma_start3A_55 = arith.constant 0 : i32
    %dma_start3A_56 = arith.constant 0 : i32
    %dma_start3A_57 = tpu.memref_slice %arg6[%dma_start3A_53, %dma_start3A_55, %dma_start3A_56] : memref<3x32x1024xf32, #tpu.memory_space<vmem>> -> memref<1x32x1024xf32, #tpu.memory_space<vmem>>
    %dma_start3A_58 = tpu.memref_squeeze %dma_start3A_57 : memref<1x32x1024xf32, #tpu.memory_space<vmem>> -> memref<32x1024xf32, #tpu.memory_space<vmem>>
    %dma_start3A_59 = arith.constant 0 : i32
    %dma_start3A_60 = tpu.memref_slice %arg5[%dma_start3A_52, %dma_start3A_59] : memref<3x32xi32, #tpu.memory_space<vmem>> -> memref<1x32xi32, #tpu.memory_space<vmem>>
    %dma_start3A_61 = tpu.memref_squeeze %dma_start3A_60 : memref<1x32xi32, #tpu.memory_space<vmem>> -> memref<32xi32, #tpu.memory_space<vmem>>
    %dma_start3A_62 = arith.constant 0 : i32
    %dma_start3A_63 = arith.constant 0 : i32
    %dma_start3A_64 = tpu.memref_slice %arg3[%dma_start3A_62, %dma_start3A_63] : memref<151936x1024xf32, #tpu.memory_space<hbm>> -> memref<151936x1024xf32, #tpu.memory_space<hbm>>
    %dma_start3A_65 = tpu.memref_slice %arg7[%dma_start3A_54] : memref<3x!tpu.dma_semaphore, #tpu.memory_space<semaphore_mem>> -> memref<1x!tpu.dma_semaphore, #tpu.memory_space<semaphore_mem>>
    %dma_start3A_66 = tpu.memref_squeeze %dma_start3A_65 : memref<1x!tpu.dma_semaphore, #tpu.memory_space<semaphore_mem>> -> memref<!tpu.dma_semaphore, #tpu.memory_space<semaphore_mem>>
    tpu.enqueue_indirect_dma source(%dma_start3A_64 : memref<151936x1024xf32, #tpu.memory_space<hbm>>) target(%dma_start3A_58 : memref<32x1024xf32, #tpu.memory_space<vmem>>) offsets(%dma_start3A_61 : memref<32xi32, #tpu.memory_space<vmem>>) semaphore(%dma_start3A_66 : memref<!tpu.dma_semaphore, #tpu.memory_space<semaphore_mem>>)
    %dma_wait3A = arith.constant 0 : i32
    %dma_wait3A_67 = arith.constant 0 : i32
    %dma_wait3A_68 = arith.constant 0 : i32
    %dma_wait3A_69 = arith.constant 0 : i32
    %dma_wait3A_70 = arith.constant 0 : i32
    %dma_wait3A_71 = tpu.memref_slice %arg6[%dma_wait3A_67, %dma_wait3A_69, %dma_wait3A_70] : memref<3x32x1024xf32, #tpu.memory_space<vmem>> -> memref<1x32x1024xf32, #tpu.memory_space<vmem>>
    %dma_wait3A_72 = tpu.memref_squeeze %dma_wait3A_71 : memref<1x32x1024xf32, #tpu.memory_space<vmem>> -> memref<32x1024xf32, #tpu.memory_space<vmem>>
    %dma_wait3A_73 = arith.constant 0 : i32
    %dma_wait3A_74 = tpu.memref_slice %arg5[%dma_wait3A, %dma_wait3A_73] : memref<3x32xi32, #tpu.memory_space<vmem>> -> memref<1x32xi32, #tpu.memory_space<vmem>>
    %dma_wait3A_75 = tpu.memref_squeeze %dma_wait3A_74 : memref<1x32xi32, #tpu.memory_space<vmem>> -> memref<32xi32, #tpu.memory_space<vmem>>
    %dma_wait3A_76 = arith.constant 0 : i32
    %dma_wait3A_77 = arith.constant 0 : i32
    %dma_wait3A_78 = tpu.memref_slice %arg3[%dma_wait3A_76, %dma_wait3A_77] : memref<151936x1024xf32, #tpu.memory_space<hbm>> -> memref<151936x1024xf32, #tpu.memory_space<hbm>>
    %dma_wait3A_79 = tpu.memref_slice %arg7[%dma_wait3A_68] : memref<3x!tpu.dma_semaphore, #tpu.memory_space<semaphore_mem>> -> memref<1x!tpu.dma_semaphore, #tpu.memory_space<semaphore_mem>>
    %dma_wait3A_80 = tpu.memref_squeeze %dma_wait3A_79 : memref<1x!tpu.dma_semaphore, #tpu.memory_space<semaphore_mem>> -> memref<!tpu.dma_semaphore, #tpu.memory_space<semaphore_mem>>
    tpu.wait_indirect_dma semaphore(%dma_wait3A_80 : memref<!tpu.dma_semaphore, #tpu.memory_space<semaphore_mem>>) src(%dma_wait3A_78 : memref<151936x1024xf32, #tpu.memory_space<hbm>>) dst(%dma_wait3A_72 : memref<32x1024xf32, #tpu.memory_space<vmem>>)
    %add3A_81 = arith.constant 0 : i32
    %add3A_82 = arith.addi %mul3A_32, %add3A_81 : i32
    %dma_start3A_83 = arith.constant 0 : i32
    %dma_start3A_84 = arith.constant 0 : i32
    %dma_start3A_85 = arith.constant 0 : i32
    %dma_start3A_86 = arith.constant 0 : i32
    %dma_start3A_87 = tpu.memref_slice %arg6[%dma_start3A_83, %dma_start3A_85, %dma_start3A_86] : memref<3x32x1024xf32, #tpu.memory_space<vmem>> -> memref<1x32x1024xf32, #tpu.memory_space<vmem>>
    %dma_start3A_88 = tpu.memref_squeeze %dma_start3A_87 : memref<1x32x1024xf32, #tpu.memory_space<vmem>> -> memref<32x1024xf32, #tpu.memory_space<vmem>>
    %dma_start3A_89 = arith.constant 0 : i32
    %dma_start3A_90 = tpu.memref_slice %arg4[%select_n3A, %add3A_82, %dma_start3A_89] : memref<2x4096x1024xf32, #tpu.memory_space<hbm>> -> memref<1x32x1024xf32, #tpu.memory_space<hbm>>
    %dma_start3A_91 = tpu.memref_squeeze %dma_start3A_90 : memref<1x32x1024xf32, #tpu.memory_space<hbm>> -> memref<32x1024xf32, #tpu.memory_space<hbm>>
    %dma_start3A_92 = tpu.memref_slice %arg8[%dma_start3A_84] : memref<3x!tpu.dma_semaphore, #tpu.memory_space<semaphore_mem>> -> memref<1x!tpu.dma_semaphore, #tpu.memory_space<semaphore_mem>>
    %dma_start3A_93 = tpu.memref_squeeze %dma_start3A_92 : memref<1x!tpu.dma_semaphore, #tpu.memory_space<semaphore_mem>> -> memref<!tpu.dma_semaphore, #tpu.memory_space<semaphore_mem>>
    %dma_start3A_94 = arith.constant 0 : i32
    %dma_start3A_95 = tpu.memref_slice %arg4[%select_n3A, %add3A_82, %dma_start3A_94] : memref<2x4096x1024xf32, #tpu.memory_space<hbm>> -> memref<1x32x1024xf32, #tpu.memory_space<hbm>>
    %dma_start3A_96 = tpu.memref_squeeze %dma_start3A_95 : memref<1x32x1024xf32, #tpu.memory_space<hbm>> -> memref<32x1024xf32, #tpu.memory_space<hbm>>
    %dma_start3A_97 = arith.constant 0 : i32
    %dma_start3A_98 = arith.constant 0 : i32
    %dma_start3A_99 = tpu.memref_slice %arg6[%dma_start3A_83, %dma_start3A_97, %dma_start3A_98] : memref<3x32x1024xf32, #tpu.memory_space<vmem>> -> memref<1x32x1024xf32, #tpu.memory_space<vmem>>
    %dma_start3A_100 = tpu.memref_squeeze %dma_start3A_99 : memref<1x32x1024xf32, #tpu.memory_space<vmem>> -> memref<32x1024xf32, #tpu.memory_space<vmem>>
    tpu.enqueue_dma source(%dma_start3A_100 : memref<32x1024xf32, #tpu.memory_space<vmem>>) target(%dma_start3A_96 : memref<32x1024xf32, #tpu.memory_space<hbm>>) target_semaphore(%dma_start3A_93 : memref<!tpu.dma_semaphore, #tpu.memory_space<semaphore_mem>>)
    %add3A_101 = arith.constant 64 : i32
    %add3A_102 = arith.addi %mul3A_32, %add3A_101 : i32
    %run_scoped3A_103 = arith.constant 2 : i32
    "tpu.region"() ({
      %run_scoped3A_614 = tpu.sem_alloc : memref<!tpu.dma_semaphore, #tpu.memory_space<semaphore_mem>>
      %dma_start3A_615 = arith.constant 0 : i32
      %dma_start3A_616 = tpu.memref_slice %arg5[%run_scoped3A_103, %dma_start3A_615] : memref<3x32xi32, #tpu.memory_space<vmem>> -> memref<1x32xi32, #tpu.memory_space<vmem>>
      %dma_start3A_617 = tpu.memref_squeeze %dma_start3A_616 : memref<1x32xi32, #tpu.memory_space<vmem>> -> memref<32xi32, #tpu.memory_space<vmem>>
      %dma_start3A_618 = tpu.memref_slice %arg2[%select_n3A, %add3A_102] : memref<2x4096xi32, #tpu.memory_space<hbm>> -> memref<1x32xi32, #tpu.memory_space<hbm>>
      %dma_start3A_619 = tpu.memref_squeeze %dma_start3A_618 : memref<1x32xi32, #tpu.memory_space<hbm>> -> memref<32xi32, #tpu.memory_space<hbm>>
      %dma_start3A_620 = arith.constant 0 : i32
      %dma_start3A_621 = tpu.memref_slice %arg5[%run_scoped3A_103, %dma_start3A_620] : memref<3x32xi32, #tpu.memory_space<vmem>> -> memref<1x32xi32, #tpu.memory_space<vmem>>
      %dma_start3A_622 = tpu.memref_squeeze %dma_start3A_621 : memref<1x32xi32, #tpu.memory_space<vmem>> -> memref<32xi32, #tpu.memory_space<vmem>>
      %dma_start3A_623 = tpu.memref_slice %arg2[%select_n3A, %add3A_102] : memref<2x4096xi32, #tpu.memory_space<hbm>> -> memref<1x32xi32, #tpu.memory_space<hbm>>
      %dma_start3A_624 = tpu.memref_squeeze %dma_start3A_623 : memref<1x32xi32, #tpu.memory_space<hbm>> -> memref<32xi32, #tpu.memory_space<hbm>>
      tpu.enqueue_dma source(%dma_start3A_624 : memref<32xi32, #tpu.memory_space<hbm>>) target(%dma_start3A_622 : memref<32xi32, #tpu.memory_space<vmem>>) target_semaphore(%run_scoped3A_614 : memref<!tpu.dma_semaphore, #tpu.memory_space<semaphore_mem>>)
      %dma_wait3A_625 = arith.constant 0 : i32
      %dma_wait3A_626 = tpu.memref_slice %arg5[%run_scoped3A_103, %dma_wait3A_625] : memref<3x32xi32, #tpu.memory_space<vmem>> -> memref<1x32xi32, #tpu.memory_space<vmem>>
      %dma_wait3A_627 = tpu.memref_squeeze %dma_wait3A_626 : memref<1x32xi32, #tpu.memory_space<vmem>> -> memref<32xi32, #tpu.memory_space<vmem>>
      %dma_wait3A_628 = tpu.memref_slice %arg2[%select_n3A, %add3A_102] : memref<2x4096xi32, #tpu.memory_space<hbm>> -> memref<1x32xi32, #tpu.memory_space<hbm>>
      %dma_wait3A_629 = tpu.memref_squeeze %dma_wait3A_628 : memref<1x32xi32, #tpu.memory_space<hbm>> -> memref<32xi32, #tpu.memory_space<hbm>>
      %dma_wait3A_630 = arith.constant 0 : i32
      %dma_wait3A_631 = tpu.memref_slice %arg5[%run_scoped3A_103, %dma_wait3A_630] : memref<3x32xi32, #tpu.memory_space<vmem>> -> memref<1x32xi32, #tpu.memory_space<vmem>>
      %dma_wait3A_632 = tpu.memref_squeeze %dma_wait3A_631 : memref<1x32xi32, #tpu.memory_space<vmem>> -> memref<32xi32, #tpu.memory_space<vmem>>
      %dma_wait3A_633 = tpu.memref_slice %arg2[%select_n3A, %add3A_102] : memref<2x4096xi32, #tpu.memory_space<hbm>> -> memref<1x32xi32, #tpu.memory_space<hbm>>
      %dma_wait3A_634 = tpu.memref_squeeze %dma_wait3A_633 : memref<1x32xi32, #tpu.memory_space<hbm>> -> memref<32xi32, #tpu.memory_space<hbm>>
      tpu.wait_dma2 semaphore(%run_scoped3A_614 : memref<!tpu.dma_semaphore, #tpu.memory_space<semaphore_mem>>) src(%dma_wait3A_634 : memref<32xi32, #tpu.memory_space<hbm>>) dst(%dma_wait3A_632 : memref<32xi32, #tpu.memory_space<vmem>>)
      tpu.yield
    }) : () -> ()
    %dma_start3A_104 = arith.constant 2 : i32
    %dma_start3A_105 = arith.constant 2 : i32
    %dma_start3A_106 = arith.constant 2 : i32
    %dma_start3A_107 = arith.constant 0 : i32
    %dma_start3A_108 = arith.constant 0 : i32
    %dma_start3A_109 = tpu.memref_slice %arg6[%dma_start3A_105, %dma_start3A_107, %dma_start3A_108] : memref<3x32x1024xf32, #tpu.memory_space<vmem>> -> memref<1x32x1024xf32, #tpu.memory_space<vmem>>
    %dma_start3A_110 = tpu.memref_squeeze %dma_start3A_109 : memref<1x32x1024xf32, #tpu.memory_space<vmem>> -> memref<32x1024xf32, #tpu.memory_space<vmem>>
    %dma_start3A_111 = arith.constant 0 : i32
    %dma_start3A_112 = tpu.memref_slice %arg5[%dma_start3A_104, %dma_start3A_111] : memref<3x32xi32, #tpu.memory_space<vmem>> -> memref<1x32xi32, #tpu.memory_space<vmem>>
    %dma_start3A_113 = tpu.memref_squeeze %dma_start3A_112 : memref<1x32xi32, #tpu.memory_space<vmem>> -> memref<32xi32, #tpu.memory_space<vmem>>
    %dma_start3A_114 = arith.constant 0 : i32
    %dma_start3A_115 = arith.constant 0 : i32
    %dma_start3A_116 = tpu.memref_slice %arg3[%dma_start3A_114, %dma_start3A_115] : memref<151936x1024xf32, #tpu.memory_space<hbm>> -> memref<151936x1024xf32, #tpu.memory_space<hbm>>
    %dma_start3A_117 = tpu.memref_slice %arg7[%dma_start3A_106] : memref<3x!tpu.dma_semaphore, #tpu.memory_space<semaphore_mem>> -> memref<1x!tpu.dma_semaphore, #tpu.memory_space<semaphore_mem>>
    %dma_start3A_118 = tpu.memref_squeeze %dma_start3A_117 : memref<1x!tpu.dma_semaphore, #tpu.memory_space<semaphore_mem>> -> memref<!tpu.dma_semaphore, #tpu.memory_space<semaphore_mem>>
    tpu.enqueue_indirect_dma source(%dma_start3A_116 : memref<151936x1024xf32, #tpu.memory_space<hbm>>) target(%dma_start3A_110 : memref<32x1024xf32, #tpu.memory_space<vmem>>) offsets(%dma_start3A_113 : memref<32xi32, #tpu.memory_space<vmem>>) semaphore(%dma_start3A_118 : memref<!tpu.dma_semaphore, #tpu.memory_space<semaphore_mem>>)
    %dma_wait3A_119 = arith.constant 1 : i32
    %dma_wait3A_120 = arith.constant 1 : i32
    %dma_wait3A_121 = arith.constant 1 : i32
    %dma_wait3A_122 = arith.constant 0 : i32
    %dma_wait3A_123 = arith.constant 0 : i32
    %dma_wait3A_124 = tpu.memref_slice %arg6[%dma_wait3A_120, %dma_wait3A_122, %dma_wait3A_123] : memref<3x32x1024xf32, #tpu.memory_space<vmem>> -> memref<1x32x1024xf32, #tpu.memory_space<vmem>>
    %dma_wait3A_125 = tpu.memref_squeeze %dma_wait3A_124 : memref<1x32x1024xf32, #tpu.memory_space<vmem>> -> memref<32x1024xf32, #tpu.memory_space<vmem>>
    %dma_wait3A_126 = arith.constant 0 : i32
    %dma_wait3A_127 = tpu.memref_slice %arg5[%dma_wait3A_119, %dma_wait3A_126] : memref<3x32xi32, #tpu.memory_space<vmem>> -> memref<1x32xi32, #tpu.memory_space<vmem>>
    %dma_wait3A_128 = tpu.memref_squeeze %dma_wait3A_127 : memref<1x32xi32, #tpu.memory_space<vmem>> -> memref<32xi32, #tpu.memory_space<vmem>>
    %dma_wait3A_129 = arith.constant 0 : i32
    %dma_wait3A_130 = arith.constant 0 : i32
    %dma_wait3A_131 = tpu.memref_slice %arg3[%dma_wait3A_129, %dma_wait3A_130] : memref<151936x1024xf32, #tpu.memory_space<hbm>> -> memref<151936x1024xf32, #tpu.memory_space<hbm>>
    %dma_wait3A_132 = tpu.memref_slice %arg7[%dma_wait3A_121] : memref<3x!tpu.dma_semaphore, #tpu.memory_space<semaphore_mem>> -> memref<1x!tpu.dma_semaphore, #tpu.memory_space<semaphore_mem>>
    %dma_wait3A_133 = tpu.memref_squeeze %dma_wait3A_132 : memref<1x!tpu.dma_semaphore, #tpu.memory_space<semaphore_mem>> -> memref<!tpu.dma_semaphore, #tpu.memory_space<semaphore_mem>>
    tpu.wait_indirect_dma semaphore(%dma_wait3A_133 : memref<!tpu.dma_semaphore, #tpu.memory_space<semaphore_mem>>) src(%dma_wait3A_131 : memref<151936x1024xf32, #tpu.memory_space<hbm>>) dst(%dma_wait3A_125 : memref<32x1024xf32, #tpu.memory_space<vmem>>)
    %add3A_134 = arith.constant 32 : i32
    %add3A_135 = arith.addi %mul3A_32, %add3A_134 : i32
    %dma_start3A_136 = arith.constant 1 : i32
    %dma_start3A_137 = arith.constant 1 : i32
    %dma_start3A_138 = arith.constant 0 : i32
    %dma_start3A_139 = arith.constant 0 : i32
    %dma_start3A_140 = tpu.memref_slice %arg6[%dma_start3A_136, %dma_start3A_138, %dma_start3A_139] : memref<3x32x1024xf32, #tpu.memory_space<vmem>> -> memref<1x32x1024xf32, #tpu.memory_space<vmem>>
    %dma_start3A_141 = tpu.memref_squeeze %dma_start3A_140 : memref<1x32x1024xf32, #tpu.memory_space<vmem>> -> memref<32x1024xf32, #tpu.memory_space<vmem>>
    %dma_start3A_142 = arith.constant 0 : i32
    %dma_start3A_143 = tpu.memref_slice %arg4[%select_n3A, %add3A_135, %dma_start3A_142] : memref<2x4096x1024xf32, #tpu.memory_space<hbm>> -> memref<1x32x1024xf32, #tpu.memory_space<hbm>>
    %dma_start3A_144 = tpu.memref_squeeze %dma_start3A_143 : memref<1x32x1024xf32, #tpu.memory_space<hbm>> -> memref<32x1024xf32, #tpu.memory_space<hbm>>
    %dma_start3A_145 = tpu.memref_slice %arg8[%dma_start3A_137] : memref<3x!tpu.dma_semaphore, #tpu.memory_space<semaphore_mem>> -> memref<1x!tpu.dma_semaphore, #tpu.memory_space<semaphore_mem>>
    %dma_start3A_146 = tpu.memref_squeeze %dma_start3A_145 : memref<1x!tpu.dma_semaphore, #tpu.memory_space<semaphore_mem>> -> memref<!tpu.dma_semaphore, #tpu.memory_space<semaphore_mem>>
    %dma_start3A_147 = arith.constant 0 : i32
    %dma_start3A_148 = tpu.memref_slice %arg4[%select_n3A, %add3A_135, %dma_start3A_147] : memref<2x4096x1024xf32, #tpu.memory_space<hbm>> -> memref<1x32x1024xf32, #tpu.memory_space<hbm>>
    %dma_start3A_149 = tpu.memref_squeeze %dma_start3A_148 : memref<1x32x1024xf32, #tpu.memory_space<hbm>> -> memref<32x1024xf32, #tpu.memory_space<hbm>>
    %dma_start3A_150 = arith.constant 0 : i32
    %dma_start3A_151 = arith.constant 0 : i32
    %dma_start3A_152 = tpu.memref_slice %arg6[%dma_start3A_136, %dma_start3A_150, %dma_start3A_151] : memref<3x32x1024xf32, #tpu.memory_space<vmem>> -> memref<1x32x1024xf32, #tpu.memory_space<vmem>>
    %dma_start3A_153 = tpu.memref_squeeze %dma_start3A_152 : memref<1x32x1024xf32, #tpu.memory_space<vmem>> -> memref<32x1024xf32, #tpu.memory_space<vmem>>
    tpu.enqueue_dma source(%dma_start3A_153 : memref<32x1024xf32, #tpu.memory_space<vmem>>) target(%dma_start3A_149 : memref<32x1024xf32, #tpu.memory_space<hbm>>) target_semaphore(%dma_start3A_146 : memref<!tpu.dma_semaphore, #tpu.memory_space<semaphore_mem>>)
    %add3A_154 = arith.constant 0 : i32
    %add3A_155 = arith.addi %mul3A_32, %add3A_154 : i32
    %dma_wait3A_156 = arith.constant 0 : i32
    %dma_wait3A_157 = arith.constant 0 : i32
    %dma_wait3A_158 = arith.constant 0 : i32
    %dma_wait3A_159 = arith.constant 0 : i32
    %dma_wait3A_160 = tpu.memref_slice %arg6[%dma_wait3A_156, %dma_wait3A_158, %dma_wait3A_159] : memref<3x32x1024xf32, #tpu.memory_space<vmem>> -> memref<1x32x1024xf32, #tpu.memory_space<vmem>>
    %dma_wait3A_161 = tpu.memref_squeeze %dma_wait3A_160 : memref<1x32x1024xf32, #tpu.memory_space<vmem>> -> memref<32x1024xf32, #tpu.memory_space<vmem>>
    %dma_wait3A_162 = arith.constant 0 : i32
    %dma_wait3A_163 = tpu.memref_slice %arg4[%select_n3A, %add3A_155, %dma_wait3A_162] : memref<2x4096x1024xf32, #tpu.memory_space<hbm>> -> memref<1x32x1024xf32, #tpu.memory_space<hbm>>
    %dma_wait3A_164 = tpu.memref_squeeze %dma_wait3A_163 : memref<1x32x1024xf32, #tpu.memory_space<hbm>> -> memref<32x1024xf32, #tpu.memory_space<hbm>>
    %dma_wait3A_165 = tpu.memref_slice %arg8[%dma_wait3A_157] : memref<3x!tpu.dma_semaphore, #tpu.memory_space<semaphore_mem>> -> memref<1x!tpu.dma_semaphore, #tpu.memory_space<semaphore_mem>>
    %dma_wait3A_166 = tpu.memref_squeeze %dma_wait3A_165 : memref<1x!tpu.dma_semaphore, #tpu.memory_space<semaphore_mem>> -> memref<!tpu.dma_semaphore, #tpu.memory_space<semaphore_mem>>
    %dma_wait3A_167 = arith.constant 0 : i32
    %dma_wait3A_168 = tpu.memref_slice %arg4[%select_n3A, %add3A_155, %dma_wait3A_167] : memref<2x4096x1024xf32, #tpu.memory_space<hbm>> -> memref<1x32x1024xf32, #tpu.memory_space<hbm>>
    %dma_wait3A_169 = tpu.memref_squeeze %dma_wait3A_168 : memref<1x32x1024xf32, #tpu.memory_space<hbm>> -> memref<32x1024xf32, #tpu.memory_space<hbm>>
    %dma_wait3A_170 = arith.constant 0 : i32
    %dma_wait3A_171 = arith.constant 0 : i32
    %dma_wait3A_172 = tpu.memref_slice %arg6[%dma_wait3A_156, %dma_wait3A_170, %dma_wait3A_171] : memref<3x32x1024xf32, #tpu.memory_space<vmem>> -> memref<1x32x1024xf32, #tpu.memory_space<vmem>>
    %dma_wait3A_173 = tpu.memref_squeeze %dma_wait3A_172 : memref<1x32x1024xf32, #tpu.memory_space<vmem>> -> memref<32x1024xf32, #tpu.memory_space<vmem>>
    tpu.wait_dma2 semaphore(%dma_wait3A_166 : memref<!tpu.dma_semaphore, #tpu.memory_space<semaphore_mem>>) src(%dma_wait3A_173 : memref<32x1024xf32, #tpu.memory_space<vmem>>) dst(%dma_wait3A_169 : memref<32x1024xf32, #tpu.memory_space<hbm>>)
    %add3A_174 = arith.constant 96 : i32
    %add3A_175 = arith.addi %mul3A_32, %add3A_174 : i32
    %run_scoped3A_176 = arith.constant 0 : i32
    "tpu.region"() ({
      %run_scoped3A_614 = tpu.sem_alloc : memref<!tpu.dma_semaphore, #tpu.memory_space<semaphore_mem>>
      %dma_start3A_615 = arith.constant 0 : i32
      %dma_start3A_616 = tpu.memref_slice %arg5[%run_scoped3A_176, %dma_start3A_615] : memref<3x32xi32, #tpu.memory_space<vmem>> -> memref<1x32xi32, #tpu.memory_space<vmem>>
      %dma_start3A_617 = tpu.memref_squeeze %dma_start3A_616 : memref<1x32xi32, #tpu.memory_space<vmem>> -> memref<32xi32, #tpu.memory_space<vmem>>
      %dma_start3A_618 = tpu.memref_slice %arg2[%select_n3A, %add3A_175] : memref<2x4096xi32, #tpu.memory_space<hbm>> -> memref<1x32xi32, #tpu.memory_space<hbm>>
      %dma_start3A_619 = tpu.memref_squeeze %dma_start3A_618 : memref<1x32xi32, #tpu.memory_space<hbm>> -> memref<32xi32, #tpu.memory_space<hbm>>
      %dma_start3A_620 = arith.constant 0 : i32
      %dma_start3A_621 = tpu.memref_slice %arg5[%run_scoped3A_176, %dma_start3A_620] : memref<3x32xi32, #tpu.memory_space<vmem>> -> memref<1x32xi32, #tpu.memory_space<vmem>>
      %dma_start3A_622 = tpu.memref_squeeze %dma_start3A_621 : memref<1x32xi32, #tpu.memory_space<vmem>> -> memref<32xi32, #tpu.memory_space<vmem>>
      %dma_start3A_623 = tpu.memref_slice %arg2[%select_n3A, %add3A_175] : memref<2x4096xi32, #tpu.memory_space<hbm>> -> memref<1x32xi32, #tpu.memory_space<hbm>>
      %dma_start3A_624 = tpu.memref_squeeze %dma_start3A_623 : memref<1x32xi32, #tpu.memory_space<hbm>> -> memref<32xi32, #tpu.memory_space<hbm>>
      tpu.enqueue_dma source(%dma_start3A_624 : memref<32xi32, #tpu.memory_space<hbm>>) target(%dma_start3A_622 : memref<32xi32, #tpu.memory_space<vmem>>) target_semaphore(%run_scoped3A_614 : memref<!tpu.dma_semaphore, #tpu.memory_space<semaphore_mem>>)
      %dma_wait3A_625 = arith.constant 0 : i32
      %dma_wait3A_626 = tpu.memref_slice %arg5[%run_scoped3A_176, %dma_wait3A_625] : memref<3x32xi32, #tpu.memory_space<vmem>> -> memref<1x32xi32, #tpu.memory_space<vmem>>
      %dma_wait3A_627 = tpu.memref_squeeze %dma_wait3A_626 : memref<1x32xi32, #tpu.memory_space<vmem>> -> memref<32xi32, #tpu.memory_space<vmem>>
      %dma_wait3A_628 = tpu.memref_slice %arg2[%select_n3A, %add3A_175] : memref<2x4096xi32, #tpu.memory_space<hbm>> -> memref<1x32xi32, #tpu.memory_space<hbm>>
      %dma_wait3A_629 = tpu.memref_squeeze %dma_wait3A_628 : memref<1x32xi32, #tpu.memory_space<hbm>> -> memref<32xi32, #tpu.memory_space<hbm>>
      %dma_wait3A_630 = arith.constant 0 : i32
      %dma_wait3A_631 = tpu.memref_slice %arg5[%run_scoped3A_176, %dma_wait3A_630] : memref<3x32xi32, #tpu.memory_space<vmem>> -> memref<1x32xi32, #tpu.memory_space<vmem>>
      %dma_wait3A_632 = tpu.memref_squeeze %dma_wait3A_631 : memref<1x32xi32, #tpu.memory_space<vmem>> -> memref<32xi32, #tpu.memory_space<vmem>>
      %dma_wait3A_633 = tpu.memref_slice %arg2[%select_n3A, %add3A_175] : memref<2x4096xi32, #tpu.memory_space<hbm>> -> memref<1x32xi32, #tpu.memory_space<hbm>>
      %dma_wait3A_634 = tpu.memref_squeeze %dma_wait3A_633 : memref<1x32xi32, #tpu.memory_space<hbm>> -> memref<32xi32, #tpu.memory_space<hbm>>
      tpu.wait_dma2 semaphore(%run_scoped3A_614 : memref<!tpu.dma_semaphore, #tpu.memory_space<semaphore_mem>>) src(%dma_wait3A_634 : memref<32xi32, #tpu.memory_space<hbm>>) dst(%dma_wait3A_632 : memref<32xi32, #tpu.memory_space<vmem>>)
      tpu.yield
    }) : () -> ()
    %dma_start3A_177 = arith.constant 0 : i32
    %dma_start3A_178 = arith.constant 0 : i32
    %dma_start3A_179 = arith.constant 0 : i32
    %dma_start3A_180 = arith.constant 0 : i32
    %dma_start3A_181 = arith.constant 0 : i32
    %dma_start3A_182 = tpu.memref_slice %arg6[%dma_start3A_178, %dma_start3A_180, %dma_start3A_181] : memref<3x32x1024xf32, #tpu.memory_space<vmem>> -> memref<1x32x1024xf32, #tpu.memory_space<vmem>>
    %dma_start3A_183 = tpu.memref_squeeze %dma_start3A_182 : memref<1x32x1024xf32, #tpu.memory_space<vmem>> -> memref<32x1024xf32, #tpu.memory_space<vmem>>
    %dma_start3A_184 = arith.constant 0 : i32
    %dma_start3A_185 = tpu.memref_slice %arg5[%dma_start3A_177, %dma_start3A_184] : memref<3x32xi32, #tpu.memory_space<vmem>> -> memref<1x32xi32, #tpu.memory_space<vmem>>
    %dma_start3A_186 = tpu.memref_squeeze %dma_start3A_185 : memref<1x32xi32, #tpu.memory_space<vmem>> -> memref<32xi32, #tpu.memory_space<vmem>>
    %dma_start3A_187 = arith.constant 0 : i32
    %dma_start3A_188 = arith.constant 0 : i32
    %dma_start3A_189 = tpu.memref_slice %arg3[%dma_start3A_187, %dma_start3A_188] : memref<151936x1024xf32, #tpu.memory_space<hbm>> -> memref<151936x1024xf32, #tpu.memory_space<hbm>>
    %dma_start3A_190 = tpu.memref_slice %arg7[%dma_start3A_179] : memref<3x!tpu.dma_semaphore, #tpu.memory_space<semaphore_mem>> -> memref<1x!tpu.dma_semaphore, #tpu.memory_space<semaphore_mem>>
    %dma_start3A_191 = tpu.memref_squeeze %dma_start3A_190 : memref<1x!tpu.dma_semaphore, #tpu.memory_space<semaphore_mem>> -> memref<!tpu.dma_semaphore, #tpu.memory_space<semaphore_mem>>
    tpu.enqueue_indirect_dma source(%dma_start3A_189 : memref<151936x1024xf32, #tpu.memory_space<hbm>>) target(%dma_start3A_183 : memref<32x1024xf32, #tpu.memory_space<vmem>>) offsets(%dma_start3A_186 : memref<32xi32, #tpu.memory_space<vmem>>) semaphore(%dma_start3A_191 : memref<!tpu.dma_semaphore, #tpu.memory_space<semaphore_mem>>)
    %dma_wait3A_192 = arith.constant 2 : i32
    %dma_wait3A_193 = arith.constant 2 : i32
    %dma_wait3A_194 = arith.constant 2 : i32
    %dma_wait3A_195 = arith.constant 0 : i32
    %dma_wait3A_196 = arith.constant 0 : i32
    %dma_wait3A_197 = tpu.memref_slice %arg6[%dma_wait3A_193, %dma_wait3A_195, %dma_wait3A_196] : memref<3x32x1024xf32, #tpu.memory_space<vmem>> -> memref<1x32x1024xf32, #tpu.memory_space<vmem>>
    %dma_wait3A_198 = tpu.memref_squeeze %dma_wait3A_197 : memref<1x32x1024xf32, #tpu.memory_space<vmem>> -> memref<32x1024xf32, #tpu.memory_space<vmem>>
    %dma_wait3A_199 = arith.constant 0 : i32
    %dma_wait3A_200 = tpu.memref_slice %arg5[%dma_wait3A_192, %dma_wait3A_199] : memref<3x32xi32, #tpu.memory_space<vmem>> -> memref<1x32xi32, #tpu.memory_space<vmem>>
    %dma_wait3A_201 = tpu.memref_squeeze %dma_wait3A_200 : memref<1x32xi32, #tpu.memory_space<vmem>> -> memref<32xi32, #tpu.memory_space<vmem>>
    %dma_wait3A_202 = arith.constant 0 : i32
    %dma_wait3A_203 = arith.constant 0 : i32
    %dma_wait3A_204 = tpu.memref_slice %arg3[%dma_wait3A_202, %dma_wait3A_203] : memref<151936x1024xf32, #tpu.memory_space<hbm>> -> memref<151936x1024xf32, #tpu.memory_space<hbm>>
    %dma_wait3A_205 = tpu.memref_slice %arg7[%dma_wait3A_194] : memref<3x!tpu.dma_semaphore, #tpu.memory_space<semaphore_mem>> -> memref<1x!tpu.dma_semaphore, #tpu.memory_space<semaphore_mem>>
    %dma_wait3A_206 = tpu.memref_squeeze %dma_wait3A_205 : memref<1x!tpu.dma_semaphore, #tpu.memory_space<semaphore_mem>> -> memref<!tpu.dma_semaphore, #tpu.memory_space<semaphore_mem>>
    tpu.wait_indirect_dma semaphore(%dma_wait3A_206 : memref<!tpu.dma_semaphore, #tpu.memory_space<semaphore_mem>>) src(%dma_wait3A_204 : memref<151936x1024xf32, #tpu.memory_space<hbm>>) dst(%dma_wait3A_198 : memref<32x1024xf32, #tpu.memory_space<vmem>>)
    %add3A_207 = arith.constant 64 : i32
    %add3A_208 = arith.addi %mul3A_32, %add3A_207 : i32
    %dma_start3A_209 = arith.constant 2 : i32
    %dma_start3A_210 = arith.constant 2 : i32
    %dma_start3A_211 = arith.constant 0 : i32
    %dma_start3A_212 = arith.constant 0 : i32
    %dma_start3A_213 = tpu.memref_slice %arg6[%dma_start3A_209, %dma_start3A_211, %dma_start3A_212] : memref<3x32x1024xf32, #tpu.memory_space<vmem>> -> memref<1x32x1024xf32, #tpu.memory_space<vmem>>
    %dma_start3A_214 = tpu.memref_squeeze %dma_start3A_213 : memref<1x32x1024xf32, #tpu.memory_space<vmem>> -> memref<32x1024xf32, #tpu.memory_space<vmem>>
    %dma_start3A_215 = arith.constant 0 : i32
    %dma_start3A_216 = tpu.memref_slice %arg4[%select_n3A, %add3A_208, %dma_start3A_215] : memref<2x4096x1024xf32, #tpu.memory_space<hbm>> -> memref<1x32x1024xf32, #tpu.memory_space<hbm>>
    %dma_start3A_217 = tpu.memref_squeeze %dma_start3A_216 : memref<1x32x1024xf32, #tpu.memory_space<hbm>> -> memref<32x1024xf32, #tpu.memory_space<hbm>>
    %dma_start3A_218 = tpu.memref_slice %arg8[%dma_start3A_210] : memref<3x!tpu.dma_semaphore, #tpu.memory_space<semaphore_mem>> -> memref<1x!tpu.dma_semaphore, #tpu.memory_space<semaphore_mem>>
    %dma_start3A_219 = tpu.memref_squeeze %dma_start3A_218 : memref<1x!tpu.dma_semaphore, #tpu.memory_space<semaphore_mem>> -> memref<!tpu.dma_semaphore, #tpu.memory_space<semaphore_mem>>
    %dma_start3A_220 = arith.constant 0 : i32
    %dma_start3A_221 = tpu.memref_slice %arg4[%select_n3A, %add3A_208, %dma_start3A_220] : memref<2x4096x1024xf32, #tpu.memory_space<hbm>> -> memref<1x32x1024xf32, #tpu.memory_space<hbm>>
    %dma_start3A_222 = tpu.memref_squeeze %dma_start3A_221 : memref<1x32x1024xf32, #tpu.memory_space<hbm>> -> memref<32x1024xf32, #tpu.memory_space<hbm>>
    %dma_start3A_223 = arith.constant 0 : i32
    %dma_start3A_224 = arith.constant 0 : i32
    %dma_start3A_225 = tpu.memref_slice %arg6[%dma_start3A_209, %dma_start3A_223, %dma_start3A_224] : memref<3x32x1024xf32, #tpu.memory_space<vmem>> -> memref<1x32x1024xf32, #tpu.memory_space<vmem>>
    %dma_start3A_226 = tpu.memref_squeeze %dma_start3A_225 : memref<1x32x1024xf32, #tpu.memory_space<vmem>> -> memref<32x1024xf32, #tpu.memory_space<vmem>>
    tpu.enqueue_dma source(%dma_start3A_226 : memref<32x1024xf32, #tpu.memory_space<vmem>>) target(%dma_start3A_222 : memref<32x1024xf32, #tpu.memory_space<hbm>>) target_semaphore(%dma_start3A_219 : memref<!tpu.dma_semaphore, #tpu.memory_space<semaphore_mem>>)
    %add3A_227 = arith.constant 32 : i32
    %add3A_228 = arith.addi %mul3A_32, %add3A_227 : i32
    %dma_wait3A_229 = arith.constant 1 : i32
    %dma_wait3A_230 = arith.constant 1 : i32
    %dma_wait3A_231 = arith.constant 0 : i32
    %dma_wait3A_232 = arith.constant 0 : i32
    %dma_wait3A_233 = tpu.memref_slice %arg6[%dma_wait3A_229, %dma_wait3A_231, %dma_wait3A_232] : memref<3x32x1024xf32, #tpu.memory_space<vmem>> -> memref<1x32x1024xf32, #tpu.memory_space<vmem>>
    %dma_wait3A_234 = tpu.memref_squeeze %dma_wait3A_233 : memref<1x32x1024xf32, #tpu.memory_space<vmem>> -> memref<32x1024xf32, #tpu.memory_space<vmem>>
    %dma_wait3A_235 = arith.constant 0 : i32
    %dma_wait3A_236 = tpu.memref_slice %arg4[%select_n3A, %add3A_228, %dma_wait3A_235] : memref<2x4096x1024xf32, #tpu.memory_space<hbm>> -> memref<1x32x1024xf32, #tpu.memory_space<hbm>>
    %dma_wait3A_237 = tpu.memref_squeeze %dma_wait3A_236 : memref<1x32x1024xf32, #tpu.memory_space<hbm>> -> memref<32x1024xf32, #tpu.memory_space<hbm>>
    %dma_wait3A_238 = tpu.memref_slice %arg8[%dma_wait3A_230] : memref<3x!tpu.dma_semaphore, #tpu.memory_space<semaphore_mem>> -> memref<1x!tpu.dma_semaphore, #tpu.memory_space<semaphore_mem>>
    %dma_wait3A_239 = tpu.memref_squeeze %dma_wait3A_238 : memref<1x!tpu.dma_semaphore, #tpu.memory_space<semaphore_mem>> -> memref<!tpu.dma_semaphore, #tpu.memory_space<semaphore_mem>>
    %dma_wait3A_240 = arith.constant 0 : i32
    %dma_wait3A_241 = tpu.memref_slice %arg4[%select_n3A, %add3A_228, %dma_wait3A_240] : memref<2x4096x1024xf32, #tpu.memory_space<hbm>> -> memref<1x32x1024xf32, #tpu.memory_space<hbm>>
    %dma_wait3A_242 = tpu.memref_squeeze %dma_wait3A_241 : memref<1x32x1024xf32, #tpu.memory_space<hbm>> -> memref<32x1024xf32, #tpu.memory_space<hbm>>
    %dma_wait3A_243 = arith.constant 0 : i32
    %dma_wait3A_244 = arith.constant 0 : i32
    %dma_wait3A_245 = tpu.memref_slice %arg6[%dma_wait3A_229, %dma_wait3A_243, %dma_wait3A_244] : memref<3x32x1024xf32, #tpu.memory_space<vmem>> -> memref<1x32x1024xf32, #tpu.memory_space<vmem>>
    %dma_wait3A_246 = tpu.memref_squeeze %dma_wait3A_245 : memref<1x32x1024xf32, #tpu.memory_space<vmem>> -> memref<32x1024xf32, #tpu.memory_space<vmem>>
    tpu.wait_dma2 semaphore(%dma_wait3A_239 : memref<!tpu.dma_semaphore, #tpu.memory_space<semaphore_mem>>) src(%dma_wait3A_246 : memref<32x1024xf32, #tpu.memory_space<vmem>>) dst(%dma_wait3A_242 : memref<32x1024xf32, #tpu.memory_space<hbm>>)
    %add3A_247 = arith.constant 128 : i32
    %add3A_248 = arith.addi %mul3A_32, %add3A_247 : i32
    %run_scoped3A_249 = arith.constant 1 : i32
    "tpu.region"() ({
      %run_scoped3A_614 = tpu.sem_alloc : memref<!tpu.dma_semaphore, #tpu.memory_space<semaphore_mem>>
      %dma_start3A_615 = arith.constant 0 : i32
      %dma_start3A_616 = tpu.memref_slice %arg5[%run_scoped3A_249, %dma_start3A_615] : memref<3x32xi32, #tpu.memory_space<vmem>> -> memref<1x32xi32, #tpu.memory_space<vmem>>
      %dma_start3A_617 = tpu.memref_squeeze %dma_start3A_616 : memref<1x32xi32, #tpu.memory_space<vmem>> -> memref<32xi32, #tpu.memory_space<vmem>>
      %dma_start3A_618 = tpu.memref_slice %arg2[%select_n3A, %add3A_248] : memref<2x4096xi32, #tpu.memory_space<hbm>> -> memref<1x32xi32, #tpu.memory_space<hbm>>
      %dma_start3A_619 = tpu.memref_squeeze %dma_start3A_618 : memref<1x32xi32, #tpu.memory_space<hbm>> -> memref<32xi32, #tpu.memory_space<hbm>>
      %dma_start3A_620 = arith.constant 0 : i32
      %dma_start3A_621 = tpu.memref_slice %arg5[%run_scoped3A_249, %dma_start3A_620] : memref<3x32xi32, #tpu.memory_space<vmem>> -> memref<1x32xi32, #tpu.memory_space<vmem>>
      %dma_start3A_622 = tpu.memref_squeeze %dma_start3A_621 : memref<1x32xi32, #tpu.memory_space<vmem>> -> memref<32xi32, #tpu.memory_space<vmem>>
      %dma_start3A_623 = tpu.memref_slice %arg2[%select_n3A, %add3A_248] : memref<2x4096xi32, #tpu.memory_space<hbm>> -> memref<1x32xi32, #tpu.memory_space<hbm>>
      %dma_start3A_624 = tpu.memref_squeeze %dma_start3A_623 : memref<1x32xi32, #tpu.memory_space<hbm>> -> memref<32xi32, #tpu.memory_space<hbm>>
      tpu.enqueue_dma source(%dma_start3A_624 : memref<32xi32, #tpu.memory_space<hbm>>) target(%dma_start3A_622 : memref<32xi32, #tpu.memory_space<vmem>>) target_semaphore(%run_scoped3A_614 : memref<!tpu.dma_semaphore, #tpu.memory_space<semaphore_mem>>)
      %dma_wait3A_625 = arith.constant 0 : i32
      %dma_wait3A_626 = tpu.memref_slice %arg5[%run_scoped3A_249, %dma_wait3A_625] : memref<3x32xi32, #tpu.memory_space<vmem>> -> memref<1x32xi32, #tpu.memory_space<vmem>>
      %dma_wait3A_627 = tpu.memref_squeeze %dma_wait3A_626 : memref<1x32xi32, #tpu.memory_space<vmem>> -> memref<32xi32, #tpu.memory_space<vmem>>
      %dma_wait3A_628 = tpu.memref_slice %arg2[%select_n3A, %add3A_248] : memref<2x4096xi32, #tpu.memory_space<hbm>> -> memref<1x32xi32, #tpu.memory_space<hbm>>
      %dma_wait3A_629 = tpu.memref_squeeze %dma_wait3A_628 : memref<1x32xi32, #tpu.memory_space<hbm>> -> memref<32xi32, #tpu.memory_space<hbm>>
      %dma_wait3A_630 = arith.constant 0 : i32
      %dma_wait3A_631 = tpu.memref_slice %arg5[%run_scoped3A_249, %dma_wait3A_630] : memref<3x32xi32, #tpu.memory_space<vmem>> -> memref<1x32xi32, #tpu.memory_space<vmem>>
      %dma_wait3A_632 = tpu.memref_squeeze %dma_wait3A_631 : memref<1x32xi32, #tpu.memory_space<vmem>> -> memref<32xi32, #tpu.memory_space<vmem>>
      %dma_wait3A_633 = tpu.memref_slice %arg2[%select_n3A, %add3A_248] : memref<2x4096xi32, #tpu.memory_space<hbm>> -> memref<1x32xi32, #tpu.memory_space<hbm>>
      %dma_wait3A_634 = tpu.memref_squeeze %dma_wait3A_633 : memref<1x32xi32, #tpu.memory_space<hbm>> -> memref<32xi32, #tpu.memory_space<hbm>>
      tpu.wait_dma2 semaphore(%run_scoped3A_614 : memref<!tpu.dma_semaphore, #tpu.memory_space<semaphore_mem>>) src(%dma_wait3A_634 : memref<32xi32, #tpu.memory_space<hbm>>) dst(%dma_wait3A_632 : memref<32xi32, #tpu.memory_space<vmem>>)
      tpu.yield
    }) : () -> ()
    %dma_start3A_250 = arith.constant 1 : i32
    %dma_start3A_251 = arith.constant 1 : i32
    %dma_start3A_252 = arith.constant 1 : i32
    %dma_start3A_253 = arith.constant 0 : i32
    %dma_start3A_254 = arith.constant 0 : i32
    %dma_start3A_255 = tpu.memref_slice %arg6[%dma_start3A_251, %dma_start3A_253, %dma_start3A_254] : memref<3x32x1024xf32, #tpu.memory_space<vmem>> -> memref<1x32x1024xf32, #tpu.memory_space<vmem>>
    %dma_start3A_256 = tpu.memref_squeeze %dma_start3A_255 : memref<1x32x1024xf32, #tpu.memory_space<vmem>> -> memref<32x1024xf32, #tpu.memory_space<vmem>>
    %dma_start3A_257 = arith.constant 0 : i32
    %dma_start3A_258 = tpu.memref_slice %arg5[%dma_start3A_250, %dma_start3A_257] : memref<3x32xi32, #tpu.memory_space<vmem>> -> memref<1x32xi32, #tpu.memory_space<vmem>>
    %dma_start3A_259 = tpu.memref_squeeze %dma_start3A_258 : memref<1x32xi32, #tpu.memory_space<vmem>> -> memref<32xi32, #tpu.memory_space<vmem>>
    %dma_start3A_260 = arith.constant 0 : i32
    %dma_start3A_261 = arith.constant 0 : i32
    %dma_start3A_262 = tpu.memref_slice %arg3[%dma_start3A_260, %dma_start3A_261] : memref<151936x1024xf32, #tpu.memory_space<hbm>> -> memref<151936x1024xf32, #tpu.memory_space<hbm>>
    %dma_start3A_263 = tpu.memref_slice %arg7[%dma_start3A_252] : memref<3x!tpu.dma_semaphore, #tpu.memory_space<semaphore_mem>> -> memref<1x!tpu.dma_semaphore, #tpu.memory_space<semaphore_mem>>
    %dma_start3A_264 = tpu.memref_squeeze %dma_start3A_263 : memref<1x!tpu.dma_semaphore, #tpu.memory_space<semaphore_mem>> -> memref<!tpu.dma_semaphore, #tpu.memory_space<semaphore_mem>>
    tpu.enqueue_indirect_dma source(%dma_start3A_262 : memref<151936x1024xf32, #tpu.memory_space<hbm>>) target(%dma_start3A_256 : memref<32x1024xf32, #tpu.memory_space<vmem>>) offsets(%dma_start3A_259 : memref<32xi32, #tpu.memory_space<vmem>>) semaphore(%dma_start3A_264 : memref<!tpu.dma_semaphore, #tpu.memory_space<semaphore_mem>>)
    %dma_wait3A_265 = arith.constant 0 : i32
    %dma_wait3A_266 = arith.constant 0 : i32
    %dma_wait3A_267 = arith.constant 0 : i32
    %dma_wait3A_268 = arith.constant 0 : i32
    %dma_wait3A_269 = arith.constant 0 : i32
    %dma_wait3A_270 = tpu.memref_slice %arg6[%dma_wait3A_266, %dma_wait3A_268, %dma_wait3A_269] : memref<3x32x1024xf32, #tpu.memory_space<vmem>> -> memref<1x32x1024xf32, #tpu.memory_space<vmem>>
    %dma_wait3A_271 = tpu.memref_squeeze %dma_wait3A_270 : memref<1x32x1024xf32, #tpu.memory_space<vmem>> -> memref<32x1024xf32, #tpu.memory_space<vmem>>
    %dma_wait3A_272 = arith.constant 0 : i32
    %dma_wait3A_273 = tpu.memref_slice %arg5[%dma_wait3A_265, %dma_wait3A_272] : memref<3x32xi32, #tpu.memory_space<vmem>> -> memref<1x32xi32, #tpu.memory_space<vmem>>
    %dma_wait3A_274 = tpu.memref_squeeze %dma_wait3A_273 : memref<1x32xi32, #tpu.memory_space<vmem>> -> memref<32xi32, #tpu.memory_space<vmem>>
    %dma_wait3A_275 = arith.constant 0 : i32
    %dma_wait3A_276 = arith.constant 0 : i32
    %dma_wait3A_277 = tpu.memref_slice %arg3[%dma_wait3A_275, %dma_wait3A_276] : memref<151936x1024xf32, #tpu.memory_space<hbm>> -> memref<151936x1024xf32, #tpu.memory_space<hbm>>
    %dma_wait3A_278 = tpu.memref_slice %arg7[%dma_wait3A_267] : memref<3x!tpu.dma_semaphore, #tpu.memory_space<semaphore_mem>> -> memref<1x!tpu.dma_semaphore, #tpu.memory_space<semaphore_mem>>
    %dma_wait3A_279 = tpu.memref_squeeze %dma_wait3A_278 : memref<1x!tpu.dma_semaphore, #tpu.memory_space<semaphore_mem>> -> memref<!tpu.dma_semaphore, #tpu.memory_space<semaphore_mem>>
    tpu.wait_indirect_dma semaphore(%dma_wait3A_279 : memref<!tpu.dma_semaphore, #tpu.memory_space<semaphore_mem>>) src(%dma_wait3A_277 : memref<151936x1024xf32, #tpu.memory_space<hbm>>) dst(%dma_wait3A_271 : memref<32x1024xf32, #tpu.memory_space<vmem>>)
    %add3A_280 = arith.constant 96 : i32
    %add3A_281 = arith.addi %mul3A_32, %add3A_280 : i32
    %dma_start3A_282 = arith.constant 0 : i32
    %dma_start3A_283 = arith.constant 0 : i32
    %dma_start3A_284 = arith.constant 0 : i32
    %dma_start3A_285 = arith.constant 0 : i32
    %dma_start3A_286 = tpu.memref_slice %arg6[%dma_start3A_282, %dma_start3A_284, %dma_start3A_285] : memref<3x32x1024xf32, #tpu.memory_space<vmem>> -> memref<1x32x1024xf32, #tpu.memory_space<vmem>>
    %dma_start3A_287 = tpu.memref_squeeze %dma_start3A_286 : memref<1x32x1024xf32, #tpu.memory_space<vmem>> -> memref<32x1024xf32, #tpu.memory_space<vmem>>
    %dma_start3A_288 = arith.constant 0 : i32
    %dma_start3A_289 = tpu.memref_slice %arg4[%select_n3A, %add3A_281, %dma_start3A_288] : memref<2x4096x1024xf32, #tpu.memory_space<hbm>> -> memref<1x32x1024xf32, #tpu.memory_space<hbm>>
    %dma_start3A_290 = tpu.memref_squeeze %dma_start3A_289 : memref<1x32x1024xf32, #tpu.memory_space<hbm>> -> memref<32x1024xf32, #tpu.memory_space<hbm>>
    %dma_start3A_291 = tpu.memref_slice %arg8[%dma_start3A_283] : memref<3x!tpu.dma_semaphore, #tpu.memory_space<semaphore_mem>> -> memref<1x!tpu.dma_semaphore, #tpu.memory_space<semaphore_mem>>
    %dma_start3A_292 = tpu.memref_squeeze %dma_start3A_291 : memref<1x!tpu.dma_semaphore, #tpu.memory_space<semaphore_mem>> -> memref<!tpu.dma_semaphore, #tpu.memory_space<semaphore_mem>>
    %dma_start3A_293 = arith.constant 0 : i32
    %dma_start3A_294 = tpu.memref_slice %arg4[%select_n3A, %add3A_281, %dma_start3A_293] : memref<2x4096x1024xf32, #tpu.memory_space<hbm>> -> memref<1x32x1024xf32, #tpu.memory_space<hbm>>
    %dma_start3A_295 = tpu.memref_squeeze %dma_start3A_294 : memref<1x32x1024xf32, #tpu.memory_space<hbm>> -> memref<32x1024xf32, #tpu.memory_space<hbm>>
    %dma_start3A_296 = arith.constant 0 : i32
    %dma_start3A_297 = arith.constant 0 : i32
    %dma_start3A_298 = tpu.memref_slice %arg6[%dma_start3A_282, %dma_start3A_296, %dma_start3A_297] : memref<3x32x1024xf32, #tpu.memory_space<vmem>> -> memref<1x32x1024xf32, #tpu.memory_space<vmem>>
    %dma_start3A_299 = tpu.memref_squeeze %dma_start3A_298 : memref<1x32x1024xf32, #tpu.memory_space<vmem>> -> memref<32x1024xf32, #tpu.memory_space<vmem>>
    tpu.enqueue_dma source(%dma_start3A_299 : memref<32x1024xf32, #tpu.memory_space<vmem>>) target(%dma_start3A_295 : memref<32x1024xf32, #tpu.memory_space<hbm>>) target_semaphore(%dma_start3A_292 : memref<!tpu.dma_semaphore, #tpu.memory_space<semaphore_mem>>)
    %add3A_300 = arith.constant 64 : i32
    %add3A_301 = arith.addi %mul3A_32, %add3A_300 : i32
    %dma_wait3A_302 = arith.constant 2 : i32
    %dma_wait3A_303 = arith.constant 2 : i32
    %dma_wait3A_304 = arith.constant 0 : i32
    %dma_wait3A_305 = arith.constant 0 : i32
    %dma_wait3A_306 = tpu.memref_slice %arg6[%dma_wait3A_302, %dma_wait3A_304, %dma_wait3A_305] : memref<3x32x1024xf32, #tpu.memory_space<vmem>> -> memref<1x32x1024xf32, #tpu.memory_space<vmem>>
    %dma_wait3A_307 = tpu.memref_squeeze %dma_wait3A_306 : memref<1x32x1024xf32, #tpu.memory_space<vmem>> -> memref<32x1024xf32, #tpu.memory_space<vmem>>
    %dma_wait3A_308 = arith.constant 0 : i32
    %dma_wait3A_309 = tpu.memref_slice %arg4[%select_n3A, %add3A_301, %dma_wait3A_308] : memref<2x4096x1024xf32, #tpu.memory_space<hbm>> -> memref<1x32x1024xf32, #tpu.memory_space<hbm>>
    %dma_wait3A_310 = tpu.memref_squeeze %dma_wait3A_309 : memref<1x32x1024xf32, #tpu.memory_space<hbm>> -> memref<32x1024xf32, #tpu.memory_space<hbm>>
    %dma_wait3A_311 = tpu.memref_slice %arg8[%dma_wait3A_303] : memref<3x!tpu.dma_semaphore, #tpu.memory_space<semaphore_mem>> -> memref<1x!tpu.dma_semaphore, #tpu.memory_space<semaphore_mem>>
    %dma_wait3A_312 = tpu.memref_squeeze %dma_wait3A_311 : memref<1x!tpu.dma_semaphore, #tpu.memory_space<semaphore_mem>> -> memref<!tpu.dma_semaphore, #tpu.memory_space<semaphore_mem>>
    %dma_wait3A_313 = arith.constant 0 : i32
    %dma_wait3A_314 = tpu.memref_slice %arg4[%select_n3A, %add3A_301, %dma_wait3A_313] : memref<2x4096x1024xf32, #tpu.memory_space<hbm>> -> memref<1x32x1024xf32, #tpu.memory_space<hbm>>
    %dma_wait3A_315 = tpu.memref_squeeze %dma_wait3A_314 : memref<1x32x1024xf32, #tpu.memory_space<hbm>> -> memref<32x1024xf32, #tpu.memory_space<hbm>>
    %dma_wait3A_316 = arith.constant 0 : i32
    %dma_wait3A_317 = arith.constant 0 : i32
    %dma_wait3A_318 = tpu.memref_slice %arg6[%dma_wait3A_302, %dma_wait3A_316, %dma_wait3A_317] : memref<3x32x1024xf32, #tpu.memory_space<vmem>> -> memref<1x32x1024xf32, #tpu.memory_space<vmem>>
    %dma_wait3A_319 = tpu.memref_squeeze %dma_wait3A_318 : memref<1x32x1024xf32, #tpu.memory_space<vmem>> -> memref<32x1024xf32, #tpu.memory_space<vmem>>
    tpu.wait_dma2 semaphore(%dma_wait3A_312 : memref<!tpu.dma_semaphore, #tpu.memory_space<semaphore_mem>>) src(%dma_wait3A_319 : memref<32x1024xf32, #tpu.memory_space<vmem>>) dst(%dma_wait3A_315 : memref<32x1024xf32, #tpu.memory_space<hbm>>)
    %add3A_320 = arith.constant 160 : i32
    %add3A_321 = arith.addi %mul3A_32, %add3A_320 : i32
    %run_scoped3A_322 = arith.constant 2 : i32
    "tpu.region"() ({
      %run_scoped3A_614 = tpu.sem_alloc : memref<!tpu.dma_semaphore, #tpu.memory_space<semaphore_mem>>
      %dma_start3A_615 = arith.constant 0 : i32
      %dma_start3A_616 = tpu.memref_slice %arg5[%run_scoped3A_322, %dma_start3A_615] : memref<3x32xi32, #tpu.memory_space<vmem>> -> memref<1x32xi32, #tpu.memory_space<vmem>>
      %dma_start3A_617 = tpu.memref_squeeze %dma_start3A_616 : memref<1x32xi32, #tpu.memory_space<vmem>> -> memref<32xi32, #tpu.memory_space<vmem>>
      %dma_start3A_618 = tpu.memref_slice %arg2[%select_n3A, %add3A_321] : memref<2x4096xi32, #tpu.memory_space<hbm>> -> memref<1x32xi32, #tpu.memory_space<hbm>>
      %dma_start3A_619 = tpu.memref_squeeze %dma_start3A_618 : memref<1x32xi32, #tpu.memory_space<hbm>> -> memref<32xi32, #tpu.memory_space<hbm>>
      %dma_start3A_620 = arith.constant 0 : i32
      %dma_start3A_621 = tpu.memref_slice %arg5[%run_scoped3A_322, %dma_start3A_620] : memref<3x32xi32, #tpu.memory_space<vmem>> -> memref<1x32xi32, #tpu.memory_space<vmem>>
      %dma_start3A_622 = tpu.memref_squeeze %dma_start3A_621 : memref<1x32xi32, #tpu.memory_space<vmem>> -> memref<32xi32, #tpu.memory_space<vmem>>
      %dma_start3A_623 = tpu.memref_slice %arg2[%select_n3A, %add3A_321] : memref<2x4096xi32, #tpu.memory_space<hbm>> -> memref<1x32xi32, #tpu.memory_space<hbm>>
      %dma_start3A_624 = tpu.memref_squeeze %dma_start3A_623 : memref<1x32xi32, #tpu.memory_space<hbm>> -> memref<32xi32, #tpu.memory_space<hbm>>
      tpu.enqueue_dma source(%dma_start3A_624 : memref<32xi32, #tpu.memory_space<hbm>>) target(%dma_start3A_622 : memref<32xi32, #tpu.memory_space<vmem>>) target_semaphore(%run_scoped3A_614 : memref<!tpu.dma_semaphore, #tpu.memory_space<semaphore_mem>>)
      %dma_wait3A_625 = arith.constant 0 : i32
      %dma_wait3A_626 = tpu.memref_slice %arg5[%run_scoped3A_322, %dma_wait3A_625] : memref<3x32xi32, #tpu.memory_space<vmem>> -> memref<1x32xi32, #tpu.memory_space<vmem>>
      %dma_wait3A_627 = tpu.memref_squeeze %dma_wait3A_626 : memref<1x32xi32, #tpu.memory_space<vmem>> -> memref<32xi32, #tpu.memory_space<vmem>>
      %dma_wait3A_628 = tpu.memref_slice %arg2[%select_n3A, %add3A_321] : memref<2x4096xi32, #tpu.memory_space<hbm>> -> memref<1x32xi32, #tpu.memory_space<hbm>>
      %dma_wait3A_629 = tpu.memref_squeeze %dma_wait3A_628 : memref<1x32xi32, #tpu.memory_space<hbm>> -> memref<32xi32, #tpu.memory_space<hbm>>
      %dma_wait3A_630 = arith.constant 0 : i32
      %dma_wait3A_631 = tpu.memref_slice %arg5[%run_scoped3A_322, %dma_wait3A_630] : memref<3x32xi32, #tpu.memory_space<vmem>> -> memref<1x32xi32, #tpu.memory_space<vmem>>
      %dma_wait3A_632 = tpu.memref_squeeze %dma_wait3A_631 : memref<1x32xi32, #tpu.memory_space<vmem>> -> memref<32xi32, #tpu.memory_space<vmem>>
      %dma_wait3A_633 = tpu.memref_slice %arg2[%select_n3A, %add3A_321] : memref<2x4096xi32, #tpu.memory_space<hbm>> -> memref<1x32xi32, #tpu.memory_space<hbm>>
      %dma_wait3A_634 = tpu.memref_squeeze %dma_wait3A_633 : memref<1x32xi32, #tpu.memory_space<hbm>> -> memref<32xi32, #tpu.memory_space<hbm>>
      tpu.wait_dma2 semaphore(%run_scoped3A_614 : memref<!tpu.dma_semaphore, #tpu.memory_space<semaphore_mem>>) src(%dma_wait3A_634 : memref<32xi32, #tpu.memory_space<hbm>>) dst(%dma_wait3A_632 : memref<32xi32, #tpu.memory_space<vmem>>)
      tpu.yield
    }) : () -> ()
    %dma_start3A_323 = arith.constant 2 : i32
    %dma_start3A_324 = arith.constant 2 : i32
    %dma_start3A_325 = arith.constant 2 : i32
    %dma_start3A_326 = arith.constant 0 : i32
    %dma_start3A_327 = arith.constant 0 : i32
    %dma_start3A_328 = tpu.memref_slice %arg6[%dma_start3A_324, %dma_start3A_326, %dma_start3A_327] : memref<3x32x1024xf32, #tpu.memory_space<vmem>> -> memref<1x32x1024xf32, #tpu.memory_space<vmem>>
    %dma_start3A_329 = tpu.memref_squeeze %dma_start3A_328 : memref<1x32x1024xf32, #tpu.memory_space<vmem>> -> memref<32x1024xf32, #tpu.memory_space<vmem>>
    %dma_start3A_330 = arith.constant 0 : i32
    %dma_start3A_331 = tpu.memref_slice %arg5[%dma_start3A_323, %dma_start3A_330] : memref<3x32xi32, #tpu.memory_space<vmem>> -> memref<1x32xi32, #tpu.memory_space<vmem>>
    %dma_start3A_332 = tpu.memref_squeeze %dma_start3A_331 : memref<1x32xi32, #tpu.memory_space<vmem>> -> memref<32xi32, #tpu.memory_space<vmem>>
    %dma_start3A_333 = arith.constant 0 : i32
    %dma_start3A_334 = arith.constant 0 : i32
    %dma_start3A_335 = tpu.memref_slice %arg3[%dma_start3A_333, %dma_start3A_334] : memref<151936x1024xf32, #tpu.memory_space<hbm>> -> memref<151936x1024xf32, #tpu.memory_space<hbm>>
    %dma_start3A_336 = tpu.memref_slice %arg7[%dma_start3A_325] : memref<3x!tpu.dma_semaphore, #tpu.memory_space<semaphore_mem>> -> memref<1x!tpu.dma_semaphore, #tpu.memory_space<semaphore_mem>>
    %dma_start3A_337 = tpu.memref_squeeze %dma_start3A_336 : memref<1x!tpu.dma_semaphore, #tpu.memory_space<semaphore_mem>> -> memref<!tpu.dma_semaphore, #tpu.memory_space<semaphore_mem>>
    tpu.enqueue_indirect_dma source(%dma_start3A_335 : memref<151936x1024xf32, #tpu.memory_space<hbm>>) target(%dma_start3A_329 : memref<32x1024xf32, #tpu.memory_space<vmem>>) offsets(%dma_start3A_332 : memref<32xi32, #tpu.memory_space<vmem>>) semaphore(%dma_start3A_337 : memref<!tpu.dma_semaphore, #tpu.memory_space<semaphore_mem>>)
    %dma_wait3A_338 = arith.constant 1 : i32
    %dma_wait3A_339 = arith.constant 1 : i32
    %dma_wait3A_340 = arith.constant 1 : i32
    %dma_wait3A_341 = arith.constant 0 : i32
    %dma_wait3A_342 = arith.constant 0 : i32
    %dma_wait3A_343 = tpu.memref_slice %arg6[%dma_wait3A_339, %dma_wait3A_341, %dma_wait3A_342] : memref<3x32x1024xf32, #tpu.memory_space<vmem>> -> memref<1x32x1024xf32, #tpu.memory_space<vmem>>
    %dma_wait3A_344 = tpu.memref_squeeze %dma_wait3A_343 : memref<1x32x1024xf32, #tpu.memory_space<vmem>> -> memref<32x1024xf32, #tpu.memory_space<vmem>>
    %dma_wait3A_345 = arith.constant 0 : i32
    %dma_wait3A_346 = tpu.memref_slice %arg5[%dma_wait3A_338, %dma_wait3A_345] : memref<3x32xi32, #tpu.memory_space<vmem>> -> memref<1x32xi32, #tpu.memory_space<vmem>>
    %dma_wait3A_347 = tpu.memref_squeeze %dma_wait3A_346 : memref<1x32xi32, #tpu.memory_space<vmem>> -> memref<32xi32, #tpu.memory_space<vmem>>
    %dma_wait3A_348 = arith.constant 0 : i32
    %dma_wait3A_349 = arith.constant 0 : i32
    %dma_wait3A_350 = tpu.memref_slice %arg3[%dma_wait3A_348, %dma_wait3A_349] : memref<151936x1024xf32, #tpu.memory_space<hbm>> -> memref<151936x1024xf32, #tpu.memory_space<hbm>>
    %dma_wait3A_351 = tpu.memref_slice %arg7[%dma_wait3A_340] : memref<3x!tpu.dma_semaphore, #tpu.memory_space<semaphore_mem>> -> memref<1x!tpu.dma_semaphore, #tpu.memory_space<semaphore_mem>>
    %dma_wait3A_352 = tpu.memref_squeeze %dma_wait3A_351 : memref<1x!tpu.dma_semaphore, #tpu.memory_space<semaphore_mem>> -> memref<!tpu.dma_semaphore, #tpu.memory_space<semaphore_mem>>
    tpu.wait_indirect_dma semaphore(%dma_wait3A_352 : memref<!tpu.dma_semaphore, #tpu.memory_space<semaphore_mem>>) src(%dma_wait3A_350 : memref<151936x1024xf32, #tpu.memory_space<hbm>>) dst(%dma_wait3A_344 : memref<32x1024xf32, #tpu.memory_space<vmem>>)
    %add3A_353 = arith.constant 128 : i32
    %add3A_354 = arith.addi %mul3A_32, %add3A_353 : i32
    %dma_start3A_355 = arith.constant 1 : i32
    %dma_start3A_356 = arith.constant 1 : i32
    %dma_start3A_357 = arith.constant 0 : i32
    %dma_start3A_358 = arith.constant 0 : i32
    %dma_start3A_359 = tpu.memref_slice %arg6[%dma_start3A_355, %dma_start3A_357, %dma_start3A_358] : memref<3x32x1024xf32, #tpu.memory_space<vmem>> -> memref<1x32x1024xf32, #tpu.memory_space<vmem>>
    %dma_start3A_360 = tpu.memref_squeeze %dma_start3A_359 : memref<1x32x1024xf32, #tpu.memory_space<vmem>> -> memref<32x1024xf32, #tpu.memory_space<vmem>>
    %dma_start3A_361 = arith.constant 0 : i32
    %dma_start3A_362 = tpu.memref_slice %arg4[%select_n3A, %add3A_354, %dma_start3A_361] : memref<2x4096x1024xf32, #tpu.memory_space<hbm>> -> memref<1x32x1024xf32, #tpu.memory_space<hbm>>
    %dma_start3A_363 = tpu.memref_squeeze %dma_start3A_362 : memref<1x32x1024xf32, #tpu.memory_space<hbm>> -> memref<32x1024xf32, #tpu.memory_space<hbm>>
    %dma_start3A_364 = tpu.memref_slice %arg8[%dma_start3A_356] : memref<3x!tpu.dma_semaphore, #tpu.memory_space<semaphore_mem>> -> memref<1x!tpu.dma_semaphore, #tpu.memory_space<semaphore_mem>>
    %dma_start3A_365 = tpu.memref_squeeze %dma_start3A_364 : memref<1x!tpu.dma_semaphore, #tpu.memory_space<semaphore_mem>> -> memref<!tpu.dma_semaphore, #tpu.memory_space<semaphore_mem>>
    %dma_start3A_366 = arith.constant 0 : i32
    %dma_start3A_367 = tpu.memref_slice %arg4[%select_n3A, %add3A_354, %dma_start3A_366] : memref<2x4096x1024xf32, #tpu.memory_space<hbm>> -> memref<1x32x1024xf32, #tpu.memory_space<hbm>>
    %dma_start3A_368 = tpu.memref_squeeze %dma_start3A_367 : memref<1x32x1024xf32, #tpu.memory_space<hbm>> -> memref<32x1024xf32, #tpu.memory_space<hbm>>
    %dma_start3A_369 = arith.constant 0 : i32
    %dma_start3A_370 = arith.constant 0 : i32
    %dma_start3A_371 = tpu.memref_slice %arg6[%dma_start3A_355, %dma_start3A_369, %dma_start3A_370] : memref<3x32x1024xf32, #tpu.memory_space<vmem>> -> memref<1x32x1024xf32, #tpu.memory_space<vmem>>
    %dma_start3A_372 = tpu.memref_squeeze %dma_start3A_371 : memref<1x32x1024xf32, #tpu.memory_space<vmem>> -> memref<32x1024xf32, #tpu.memory_space<vmem>>
    tpu.enqueue_dma source(%dma_start3A_372 : memref<32x1024xf32, #tpu.memory_space<vmem>>) target(%dma_start3A_368 : memref<32x1024xf32, #tpu.memory_space<hbm>>) target_semaphore(%dma_start3A_365 : memref<!tpu.dma_semaphore, #tpu.memory_space<semaphore_mem>>)
    %add3A_373 = arith.constant 96 : i32
    %add3A_374 = arith.addi %mul3A_32, %add3A_373 : i32
    %dma_wait3A_375 = arith.constant 0 : i32
    %dma_wait3A_376 = arith.constant 0 : i32
    %dma_wait3A_377 = arith.constant 0 : i32
    %dma_wait3A_378 = arith.constant 0 : i32
    %dma_wait3A_379 = tpu.memref_slice %arg6[%dma_wait3A_375, %dma_wait3A_377, %dma_wait3A_378] : memref<3x32x1024xf32, #tpu.memory_space<vmem>> -> memref<1x32x1024xf32, #tpu.memory_space<vmem>>
    %dma_wait3A_380 = tpu.memref_squeeze %dma_wait3A_379 : memref<1x32x1024xf32, #tpu.memory_space<vmem>> -> memref<32x1024xf32, #tpu.memory_space<vmem>>
    %dma_wait3A_381 = arith.constant 0 : i32
    %dma_wait3A_382 = tpu.memref_slice %arg4[%select_n3A, %add3A_374, %dma_wait3A_381] : memref<2x4096x1024xf32, #tpu.memory_space<hbm>> -> memref<1x32x1024xf32, #tpu.memory_space<hbm>>
    %dma_wait3A_383 = tpu.memref_squeeze %dma_wait3A_382 : memref<1x32x1024xf32, #tpu.memory_space<hbm>> -> memref<32x1024xf32, #tpu.memory_space<hbm>>
    %dma_wait3A_384 = tpu.memref_slice %arg8[%dma_wait3A_376] : memref<3x!tpu.dma_semaphore, #tpu.memory_space<semaphore_mem>> -> memref<1x!tpu.dma_semaphore, #tpu.memory_space<semaphore_mem>>
    %dma_wait3A_385 = tpu.memref_squeeze %dma_wait3A_384 : memref<1x!tpu.dma_semaphore, #tpu.memory_space<semaphore_mem>> -> memref<!tpu.dma_semaphore, #tpu.memory_space<semaphore_mem>>
    %dma_wait3A_386 = arith.constant 0 : i32
    %dma_wait3A_387 = tpu.memref_slice %arg4[%select_n3A, %add3A_374, %dma_wait3A_386] : memref<2x4096x1024xf32, #tpu.memory_space<hbm>> -> memref<1x32x1024xf32, #tpu.memory_space<hbm>>
    %dma_wait3A_388 = tpu.memref_squeeze %dma_wait3A_387 : memref<1x32x1024xf32, #tpu.memory_space<hbm>> -> memref<32x1024xf32, #tpu.memory_space<hbm>>
    %dma_wait3A_389 = arith.constant 0 : i32
    %dma_wait3A_390 = arith.constant 0 : i32
    %dma_wait3A_391 = tpu.memref_slice %arg6[%dma_wait3A_375, %dma_wait3A_389, %dma_wait3A_390] : memref<3x32x1024xf32, #tpu.memory_space<vmem>> -> memref<1x32x1024xf32, #tpu.memory_space<vmem>>
    %dma_wait3A_392 = tpu.memref_squeeze %dma_wait3A_391 : memref<1x32x1024xf32, #tpu.memory_space<vmem>> -> memref<32x1024xf32, #tpu.memory_space<vmem>>
    tpu.wait_dma2 semaphore(%dma_wait3A_385 : memref<!tpu.dma_semaphore, #tpu.memory_space<semaphore_mem>>) src(%dma_wait3A_392 : memref<32x1024xf32, #tpu.memory_space<vmem>>) dst(%dma_wait3A_388 : memref<32x1024xf32, #tpu.memory_space<hbm>>)
    %add3A_393 = arith.constant 192 : i32
    %add3A_394 = arith.addi %mul3A_32, %add3A_393 : i32
    %run_scoped3A_395 = arith.constant 0 : i32
    "tpu.region"() ({
      %run_scoped3A_614 = tpu.sem_alloc : memref<!tpu.dma_semaphore, #tpu.memory_space<semaphore_mem>>
      %dma_start3A_615 = arith.constant 0 : i32
      %dma_start3A_616 = tpu.memref_slice %arg5[%run_scoped3A_395, %dma_start3A_615] : memref<3x32xi32, #tpu.memory_space<vmem>> -> memref<1x32xi32, #tpu.memory_space<vmem>>
      %dma_start3A_617 = tpu.memref_squeeze %dma_start3A_616 : memref<1x32xi32, #tpu.memory_space<vmem>> -> memref<32xi32, #tpu.memory_space<vmem>>
      %dma_start3A_618 = tpu.memref_slice %arg2[%select_n3A, %add3A_394] : memref<2x4096xi32, #tpu.memory_space<hbm>> -> memref<1x32xi32, #tpu.memory_space<hbm>>
      %dma_start3A_619 = tpu.memref_squeeze %dma_start3A_618 : memref<1x32xi32, #tpu.memory_space<hbm>> -> memref<32xi32, #tpu.memory_space<hbm>>
      %dma_start3A_620 = arith.constant 0 : i32
      %dma_start3A_621 = tpu.memref_slice %arg5[%run_scoped3A_395, %dma_start3A_620] : memref<3x32xi32, #tpu.memory_space<vmem>> -> memref<1x32xi32, #tpu.memory_space<vmem>>
      %dma_start3A_622 = tpu.memref_squeeze %dma_start3A_621 : memref<1x32xi32, #tpu.memory_space<vmem>> -> memref<32xi32, #tpu.memory_space<vmem>>
      %dma_start3A_623 = tpu.memref_slice %arg2[%select_n3A, %add3A_394] : memref<2x4096xi32, #tpu.memory_space<hbm>> -> memref<1x32xi32, #tpu.memory_space<hbm>>
      %dma_start3A_624 = tpu.memref_squeeze %dma_start3A_623 : memref<1x32xi32, #tpu.memory_space<hbm>> -> memref<32xi32, #tpu.memory_space<hbm>>
      tpu.enqueue_dma source(%dma_start3A_624 : memref<32xi32, #tpu.memory_space<hbm>>) target(%dma_start3A_622 : memref<32xi32, #tpu.memory_space<vmem>>) target_semaphore(%run_scoped3A_614 : memref<!tpu.dma_semaphore, #tpu.memory_space<semaphore_mem>>)
      %dma_wait3A_625 = arith.constant 0 : i32
      %dma_wait3A_626 = tpu.memref_slice %arg5[%run_scoped3A_395, %dma_wait3A_625] : memref<3x32xi32, #tpu.memory_space<vmem>> -> memref<1x32xi32, #tpu.memory_space<vmem>>
      %dma_wait3A_627 = tpu.memref_squeeze %dma_wait3A_626 : memref<1x32xi32, #tpu.memory_space<vmem>> -> memref<32xi32, #tpu.memory_space<vmem>>
      %dma_wait3A_628 = tpu.memref_slice %arg2[%select_n3A, %add3A_394] : memref<2x4096xi32, #tpu.memory_space<hbm>> -> memref<1x32xi32, #tpu.memory_space<hbm>>
      %dma_wait3A_629 = tpu.memref_squeeze %dma_wait3A_628 : memref<1x32xi32, #tpu.memory_space<hbm>> -> memref<32xi32, #tpu.memory_space<hbm>>
      %dma_wait3A_630 = arith.constant 0 : i32
      %dma_wait3A_631 = tpu.memref_slice %arg5[%run_scoped3A_395, %dma_wait3A_630] : memref<3x32xi32, #tpu.memory_space<vmem>> -> memref<1x32xi32, #tpu.memory_space<vmem>>
      %dma_wait3A_632 = tpu.memref_squeeze %dma_wait3A_631 : memref<1x32xi32, #tpu.memory_space<vmem>> -> memref<32xi32, #tpu.memory_space<vmem>>
      %dma_wait3A_633 = tpu.memref_slice %arg2[%select_n3A, %add3A_394] : memref<2x4096xi32, #tpu.memory_space<hbm>> -> memref<1x32xi32, #tpu.memory_space<hbm>>
      %dma_wait3A_634 = tpu.memref_squeeze %dma_wait3A_633 : memref<1x32xi32, #tpu.memory_space<hbm>> -> memref<32xi32, #tpu.memory_space<hbm>>
      tpu.wait_dma2 semaphore(%run_scoped3A_614 : memref<!tpu.dma_semaphore, #tpu.memory_space<semaphore_mem>>) src(%dma_wait3A_634 : memref<32xi32, #tpu.memory_space<hbm>>) dst(%dma_wait3A_632 : memref<32xi32, #tpu.memory_space<vmem>>)
      tpu.yield
    }) : () -> ()
    %dma_start3A_396 = arith.constant 0 : i32
    %dma_start3A_397 = arith.constant 0 : i32
    %dma_start3A_398 = arith.constant 0 : i32
    %dma_start3A_399 = arith.constant 0 : i32
    %dma_start3A_400 = arith.constant 0 : i32
    %dma_start3A_401 = tpu.memref_slice %arg6[%dma_start3A_397, %dma_start3A_399, %dma_start3A_400] : memref<3x32x1024xf32, #tpu.memory_space<vmem>> -> memref<1x32x1024xf32, #tpu.memory_space<vmem>>
    %dma_start3A_402 = tpu.memref_squeeze %dma_start3A_401 : memref<1x32x1024xf32, #tpu.memory_space<vmem>> -> memref<32x1024xf32, #tpu.memory_space<vmem>>
    %dma_start3A_403 = arith.constant 0 : i32
    %dma_start3A_404 = tpu.memref_slice %arg5[%dma_start3A_396, %dma_start3A_403] : memref<3x32xi32, #tpu.memory_space<vmem>> -> memref<1x32xi32, #tpu.memory_space<vmem>>
    %dma_start3A_405 = tpu.memref_squeeze %dma_start3A_404 : memref<1x32xi32, #tpu.memory_space<vmem>> -> memref<32xi32, #tpu.memory_space<vmem>>
    %dma_start3A_406 = arith.constant 0 : i32
    %dma_start3A_407 = arith.constant 0 : i32
    %dma_start3A_408 = tpu.memref_slice %arg3[%dma_start3A_406, %dma_start3A_407] : memref<151936x1024xf32, #tpu.memory_space<hbm>> -> memref<151936x1024xf32, #tpu.memory_space<hbm>>
    %dma_start3A_409 = tpu.memref_slice %arg7[%dma_start3A_398] : memref<3x!tpu.dma_semaphore, #tpu.memory_space<semaphore_mem>> -> memref<1x!tpu.dma_semaphore, #tpu.memory_space<semaphore_mem>>
    %dma_start3A_410 = tpu.memref_squeeze %dma_start3A_409 : memref<1x!tpu.dma_semaphore, #tpu.memory_space<semaphore_mem>> -> memref<!tpu.dma_semaphore, #tpu.memory_space<semaphore_mem>>
    tpu.enqueue_indirect_dma source(%dma_start3A_408 : memref<151936x1024xf32, #tpu.memory_space<hbm>>) target(%dma_start3A_402 : memref<32x1024xf32, #tpu.memory_space<vmem>>) offsets(%dma_start3A_405 : memref<32xi32, #tpu.memory_space<vmem>>) semaphore(%dma_start3A_410 : memref<!tpu.dma_semaphore, #tpu.memory_space<semaphore_mem>>)
    %dma_wait3A_411 = arith.constant 2 : i32
    %dma_wait3A_412 = arith.constant 2 : i32
    %dma_wait3A_413 = arith.constant 2 : i32
    %dma_wait3A_414 = arith.constant 0 : i32
    %dma_wait3A_415 = arith.constant 0 : i32
    %dma_wait3A_416 = tpu.memref_slice %arg6[%dma_wait3A_412, %dma_wait3A_414, %dma_wait3A_415] : memref<3x32x1024xf32, #tpu.memory_space<vmem>> -> memref<1x32x1024xf32, #tpu.memory_space<vmem>>
    %dma_wait3A_417 = tpu.memref_squeeze %dma_wait3A_416 : memref<1x32x1024xf32, #tpu.memory_space<vmem>> -> memref<32x1024xf32, #tpu.memory_space<vmem>>
    %dma_wait3A_418 = arith.constant 0 : i32
    %dma_wait3A_419 = tpu.memref_slice %arg5[%dma_wait3A_411, %dma_wait3A_418] : memref<3x32xi32, #tpu.memory_space<vmem>> -> memref<1x32xi32, #tpu.memory_space<vmem>>
    %dma_wait3A_420 = tpu.memref_squeeze %dma_wait3A_419 : memref<1x32xi32, #tpu.memory_space<vmem>> -> memref<32xi32, #tpu.memory_space<vmem>>
    %dma_wait3A_421 = arith.constant 0 : i32
    %dma_wait3A_422 = arith.constant 0 : i32
    %dma_wait3A_423 = tpu.memref_slice %arg3[%dma_wait3A_421, %dma_wait3A_422] : memref<151936x1024xf32, #tpu.memory_space<hbm>> -> memref<151936x1024xf32, #tpu.memory_space<hbm>>
    %dma_wait3A_424 = tpu.memref_slice %arg7[%dma_wait3A_413] : memref<3x!tpu.dma_semaphore, #tpu.memory_space<semaphore_mem>> -> memref<1x!tpu.dma_semaphore, #tpu.memory_space<semaphore_mem>>
    %dma_wait3A_425 = tpu.memref_squeeze %dma_wait3A_424 : memref<1x!tpu.dma_semaphore, #tpu.memory_space<semaphore_mem>> -> memref<!tpu.dma_semaphore, #tpu.memory_space<semaphore_mem>>
    tpu.wait_indirect_dma semaphore(%dma_wait3A_425 : memref<!tpu.dma_semaphore, #tpu.memory_space<semaphore_mem>>) src(%dma_wait3A_423 : memref<151936x1024xf32, #tpu.memory_space<hbm>>) dst(%dma_wait3A_417 : memref<32x1024xf32, #tpu.memory_space<vmem>>)
    %add3A_426 = arith.constant 160 : i32
    %add3A_427 = arith.addi %mul3A_32, %add3A_426 : i32
    %dma_start3A_428 = arith.constant 2 : i32
    %dma_start3A_429 = arith.constant 2 : i32
    %dma_start3A_430 = arith.constant 0 : i32
    %dma_start3A_431 = arith.constant 0 : i32
    %dma_start3A_432 = tpu.memref_slice %arg6[%dma_start3A_428, %dma_start3A_430, %dma_start3A_431] : memref<3x32x1024xf32, #tpu.memory_space<vmem>> -> memref<1x32x1024xf32, #tpu.memory_space<vmem>>
    %dma_start3A_433 = tpu.memref_squeeze %dma_start3A_432 : memref<1x32x1024xf32, #tpu.memory_space<vmem>> -> memref<32x1024xf32, #tpu.memory_space<vmem>>
    %dma_start3A_434 = arith.constant 0 : i32
    %dma_start3A_435 = tpu.memref_slice %arg4[%select_n3A, %add3A_427, %dma_start3A_434] : memref<2x4096x1024xf32, #tpu.memory_space<hbm>> -> memref<1x32x1024xf32, #tpu.memory_space<hbm>>
    %dma_start3A_436 = tpu.memref_squeeze %dma_start3A_435 : memref<1x32x1024xf32, #tpu.memory_space<hbm>> -> memref<32x1024xf32, #tpu.memory_space<hbm>>
    %dma_start3A_437 = tpu.memref_slice %arg8[%dma_start3A_429] : memref<3x!tpu.dma_semaphore, #tpu.memory_space<semaphore_mem>> -> memref<1x!tpu.dma_semaphore, #tpu.memory_space<semaphore_mem>>
    %dma_start3A_438 = tpu.memref_squeeze %dma_start3A_437 : memref<1x!tpu.dma_semaphore, #tpu.memory_space<semaphore_mem>> -> memref<!tpu.dma_semaphore, #tpu.memory_space<semaphore_mem>>
    %dma_start3A_439 = arith.constant 0 : i32
    %dma_start3A_440 = tpu.memref_slice %arg4[%select_n3A, %add3A_427, %dma_start3A_439] : memref<2x4096x1024xf32, #tpu.memory_space<hbm>> -> memref<1x32x1024xf32, #tpu.memory_space<hbm>>
    %dma_start3A_441 = tpu.memref_squeeze %dma_start3A_440 : memref<1x32x1024xf32, #tpu.memory_space<hbm>> -> memref<32x1024xf32, #tpu.memory_space<hbm>>
    %dma_start3A_442 = arith.constant 0 : i32
    %dma_start3A_443 = arith.constant 0 : i32
    %dma_start3A_444 = tpu.memref_slice %arg6[%dma_start3A_428, %dma_start3A_442, %dma_start3A_443] : memref<3x32x1024xf32, #tpu.memory_space<vmem>> -> memref<1x32x1024xf32, #tpu.memory_space<vmem>>
    %dma_start3A_445 = tpu.memref_squeeze %dma_start3A_444 : memref<1x32x1024xf32, #tpu.memory_space<vmem>> -> memref<32x1024xf32, #tpu.memory_space<vmem>>
    tpu.enqueue_dma source(%dma_start3A_445 : memref<32x1024xf32, #tpu.memory_space<vmem>>) target(%dma_start3A_441 : memref<32x1024xf32, #tpu.memory_space<hbm>>) target_semaphore(%dma_start3A_438 : memref<!tpu.dma_semaphore, #tpu.memory_space<semaphore_mem>>)
    %add3A_446 = arith.constant 128 : i32
    %add3A_447 = arith.addi %mul3A_32, %add3A_446 : i32
    %dma_wait3A_448 = arith.constant 1 : i32
    %dma_wait3A_449 = arith.constant 1 : i32
    %dma_wait3A_450 = arith.constant 0 : i32
    %dma_wait3A_451 = arith.constant 0 : i32
    %dma_wait3A_452 = tpu.memref_slice %arg6[%dma_wait3A_448, %dma_wait3A_450, %dma_wait3A_451] : memref<3x32x1024xf32, #tpu.memory_space<vmem>> -> memref<1x32x1024xf32, #tpu.memory_space<vmem>>
    %dma_wait3A_453 = tpu.memref_squeeze %dma_wait3A_452 : memref<1x32x1024xf32, #tpu.memory_space<vmem>> -> memref<32x1024xf32, #tpu.memory_space<vmem>>
    %dma_wait3A_454 = arith.constant 0 : i32
    %dma_wait3A_455 = tpu.memref_slice %arg4[%select_n3A, %add3A_447, %dma_wait3A_454] : memref<2x4096x1024xf32, #tpu.memory_space<hbm>> -> memref<1x32x1024xf32, #tpu.memory_space<hbm>>
    %dma_wait3A_456 = tpu.memref_squeeze %dma_wait3A_455 : memref<1x32x1024xf32, #tpu.memory_space<hbm>> -> memref<32x1024xf32, #tpu.memory_space<hbm>>
    %dma_wait3A_457 = tpu.memref_slice %arg8[%dma_wait3A_449] : memref<3x!tpu.dma_semaphore, #tpu.memory_space<semaphore_mem>> -> memref<1x!tpu.dma_semaphore, #tpu.memory_space<semaphore_mem>>
    %dma_wait3A_458 = tpu.memref_squeeze %dma_wait3A_457 : memref<1x!tpu.dma_semaphore, #tpu.memory_space<semaphore_mem>> -> memref<!tpu.dma_semaphore, #tpu.memory_space<semaphore_mem>>
    %dma_wait3A_459 = arith.constant 0 : i32
    %dma_wait3A_460 = tpu.memref_slice %arg4[%select_n3A, %add3A_447, %dma_wait3A_459] : memref<2x4096x1024xf32, #tpu.memory_space<hbm>> -> memref<1x32x1024xf32, #tpu.memory_space<hbm>>
    %dma_wait3A_461 = tpu.memref_squeeze %dma_wait3A_460 : memref<1x32x1024xf32, #tpu.memory_space<hbm>> -> memref<32x1024xf32, #tpu.memory_space<hbm>>
    %dma_wait3A_462 = arith.constant 0 : i32
    %dma_wait3A_463 = arith.constant 0 : i32
    %dma_wait3A_464 = tpu.memref_slice %arg6[%dma_wait3A_448, %dma_wait3A_462, %dma_wait3A_463] : memref<3x32x1024xf32, #tpu.memory_space<vmem>> -> memref<1x32x1024xf32, #tpu.memory_space<vmem>>
    %dma_wait3A_465 = tpu.memref_squeeze %dma_wait3A_464 : memref<1x32x1024xf32, #tpu.memory_space<vmem>> -> memref<32x1024xf32, #tpu.memory_space<vmem>>
    tpu.wait_dma2 semaphore(%dma_wait3A_458 : memref<!tpu.dma_semaphore, #tpu.memory_space<semaphore_mem>>) src(%dma_wait3A_465 : memref<32x1024xf32, #tpu.memory_space<vmem>>) dst(%dma_wait3A_461 : memref<32x1024xf32, #tpu.memory_space<hbm>>)
    %add3A_466 = arith.constant 224 : i32
    %add3A_467 = arith.addi %mul3A_32, %add3A_466 : i32
    %run_scoped3A_468 = arith.constant 1 : i32
    "tpu.region"() ({
      %run_scoped3A_614 = tpu.sem_alloc : memref<!tpu.dma_semaphore, #tpu.memory_space<semaphore_mem>>
      %dma_start3A_615 = arith.constant 0 : i32
      %dma_start3A_616 = tpu.memref_slice %arg5[%run_scoped3A_468, %dma_start3A_615] : memref<3x32xi32, #tpu.memory_space<vmem>> -> memref<1x32xi32, #tpu.memory_space<vmem>>
      %dma_start3A_617 = tpu.memref_squeeze %dma_start3A_616 : memref<1x32xi32, #tpu.memory_space<vmem>> -> memref<32xi32, #tpu.memory_space<vmem>>
      %dma_start3A_618 = tpu.memref_slice %arg2[%select_n3A, %add3A_467] : memref<2x4096xi32, #tpu.memory_space<hbm>> -> memref<1x32xi32, #tpu.memory_space<hbm>>
      %dma_start3A_619 = tpu.memref_squeeze %dma_start3A_618 : memref<1x32xi32, #tpu.memory_space<hbm>> -> memref<32xi32, #tpu.memory_space<hbm>>
      %dma_start3A_620 = arith.constant 0 : i32
      %dma_start3A_621 = tpu.memref_slice %arg5[%run_scoped3A_468, %dma_start3A_620] : memref<3x32xi32, #tpu.memory_space<vmem>> -> memref<1x32xi32, #tpu.memory_space<vmem>>
      %dma_start3A_622 = tpu.memref_squeeze %dma_start3A_621 : memref<1x32xi32, #tpu.memory_space<vmem>> -> memref<32xi32, #tpu.memory_space<vmem>>
      %dma_start3A_623 = tpu.memref_slice %arg2[%select_n3A, %add3A_467] : memref<2x4096xi32, #tpu.memory_space<hbm>> -> memref<1x32xi32, #tpu.memory_space<hbm>>
      %dma_start3A_624 = tpu.memref_squeeze %dma_start3A_623 : memref<1x32xi32, #tpu.memory_space<hbm>> -> memref<32xi32, #tpu.memory_space<hbm>>
      tpu.enqueue_dma source(%dma_start3A_624 : memref<32xi32, #tpu.memory_space<hbm>>) target(%dma_start3A_622 : memref<32xi32, #tpu.memory_space<vmem>>) target_semaphore(%run_scoped3A_614 : memref<!tpu.dma_semaphore, #tpu.memory_space<semaphore_mem>>)
      %dma_wait3A_625 = arith.constant 0 : i32
      %dma_wait3A_626 = tpu.memref_slice %arg5[%run_scoped3A_468, %dma_wait3A_625] : memref<3x32xi32, #tpu.memory_space<vmem>> -> memref<1x32xi32, #tpu.memory_space<vmem>>
      %dma_wait3A_627 = tpu.memref_squeeze %dma_wait3A_626 : memref<1x32xi32, #tpu.memory_space<vmem>> -> memref<32xi32, #tpu.memory_space<vmem>>
      %dma_wait3A_628 = tpu.memref_slice %arg2[%select_n3A, %add3A_467] : memref<2x4096xi32, #tpu.memory_space<hbm>> -> memref<1x32xi32, #tpu.memory_space<hbm>>
      %dma_wait3A_629 = tpu.memref_squeeze %dma_wait3A_628 : memref<1x32xi32, #tpu.memory_space<hbm>> -> memref<32xi32, #tpu.memory_space<hbm>>
      %dma_wait3A_630 = arith.constant 0 : i32
      %dma_wait3A_631 = tpu.memref_slice %arg5[%run_scoped3A_468, %dma_wait3A_630] : memref<3x32xi32, #tpu.memory_space<vmem>> -> memref<1x32xi32, #tpu.memory_space<vmem>>
      %dma_wait3A_632 = tpu.memref_squeeze %dma_wait3A_631 : memref<1x32xi32, #tpu.memory_space<vmem>> -> memref<32xi32, #tpu.memory_space<vmem>>
      %dma_wait3A_633 = tpu.memref_slice %arg2[%select_n3A, %add3A_467] : memref<2x4096xi32, #tpu.memory_space<hbm>> -> memref<1x32xi32, #tpu.memory_space<hbm>>
      %dma_wait3A_634 = tpu.memref_squeeze %dma_wait3A_633 : memref<1x32xi32, #tpu.memory_space<hbm>> -> memref<32xi32, #tpu.memory_space<hbm>>
      tpu.wait_dma2 semaphore(%run_scoped3A_614 : memref<!tpu.dma_semaphore, #tpu.memory_space<semaphore_mem>>) src(%dma_wait3A_634 : memref<32xi32, #tpu.memory_space<hbm>>) dst(%dma_wait3A_632 : memref<32xi32, #tpu.memory_space<vmem>>)
      tpu.yield
    }) : () -> ()
    %dma_start3A_469 = arith.constant 1 : i32
    %dma_start3A_470 = arith.constant 1 : i32
    %dma_start3A_471 = arith.constant 1 : i32
    %dma_start3A_472 = arith.constant 0 : i32
    %dma_start3A_473 = arith.constant 0 : i32
    %dma_start3A_474 = tpu.memref_slice %arg6[%dma_start3A_470, %dma_start3A_472, %dma_start3A_473] : memref<3x32x1024xf32, #tpu.memory_space<vmem>> -> memref<1x32x1024xf32, #tpu.memory_space<vmem>>
    %dma_start3A_475 = tpu.memref_squeeze %dma_start3A_474 : memref<1x32x1024xf32, #tpu.memory_space<vmem>> -> memref<32x1024xf32, #tpu.memory_space<vmem>>
    %dma_start3A_476 = arith.constant 0 : i32
    %dma_start3A_477 = tpu.memref_slice %arg5[%dma_start3A_469, %dma_start3A_476] : memref<3x32xi32, #tpu.memory_space<vmem>> -> memref<1x32xi32, #tpu.memory_space<vmem>>
    %dma_start3A_478 = tpu.memref_squeeze %dma_start3A_477 : memref<1x32xi32, #tpu.memory_space<vmem>> -> memref<32xi32, #tpu.memory_space<vmem>>
    %dma_start3A_479 = arith.constant 0 : i32
    %dma_start3A_480 = arith.constant 0 : i32
    %dma_start3A_481 = tpu.memref_slice %arg3[%dma_start3A_479, %dma_start3A_480] : memref<151936x1024xf32, #tpu.memory_space<hbm>> -> memref<151936x1024xf32, #tpu.memory_space<hbm>>
    %dma_start3A_482 = tpu.memref_slice %arg7[%dma_start3A_471] : memref<3x!tpu.dma_semaphore, #tpu.memory_space<semaphore_mem>> -> memref<1x!tpu.dma_semaphore, #tpu.memory_space<semaphore_mem>>
    %dma_start3A_483 = tpu.memref_squeeze %dma_start3A_482 : memref<1x!tpu.dma_semaphore, #tpu.memory_space<semaphore_mem>> -> memref<!tpu.dma_semaphore, #tpu.memory_space<semaphore_mem>>
    tpu.enqueue_indirect_dma source(%dma_start3A_481 : memref<151936x1024xf32, #tpu.memory_space<hbm>>) target(%dma_start3A_475 : memref<32x1024xf32, #tpu.memory_space<vmem>>) offsets(%dma_start3A_478 : memref<32xi32, #tpu.memory_space<vmem>>) semaphore(%dma_start3A_483 : memref<!tpu.dma_semaphore, #tpu.memory_space<semaphore_mem>>)
    %dma_wait3A_484 = arith.constant 0 : i32
    %dma_wait3A_485 = arith.constant 0 : i32
    %dma_wait3A_486 = arith.constant 0 : i32
    %dma_wait3A_487 = arith.constant 0 : i32
    %dma_wait3A_488 = arith.constant 0 : i32
    %dma_wait3A_489 = tpu.memref_slice %arg6[%dma_wait3A_485, %dma_wait3A_487, %dma_wait3A_488] : memref<3x32x1024xf32, #tpu.memory_space<vmem>> -> memref<1x32x1024xf32, #tpu.memory_space<vmem>>
    %dma_wait3A_490 = tpu.memref_squeeze %dma_wait3A_489 : memref<1x32x1024xf32, #tpu.memory_space<vmem>> -> memref<32x1024xf32, #tpu.memory_space<vmem>>
    %dma_wait3A_491 = arith.constant 0 : i32
    %dma_wait3A_492 = tpu.memref_slice %arg5[%dma_wait3A_484, %dma_wait3A_491] : memref<3x32xi32, #tpu.memory_space<vmem>> -> memref<1x32xi32, #tpu.memory_space<vmem>>
    %dma_wait3A_493 = tpu.memref_squeeze %dma_wait3A_492 : memref<1x32xi32, #tpu.memory_space<vmem>> -> memref<32xi32, #tpu.memory_space<vmem>>
    %dma_wait3A_494 = arith.constant 0 : i32
    %dma_wait3A_495 = arith.constant 0 : i32
    %dma_wait3A_496 = tpu.memref_slice %arg3[%dma_wait3A_494, %dma_wait3A_495] : memref<151936x1024xf32, #tpu.memory_space<hbm>> -> memref<151936x1024xf32, #tpu.memory_space<hbm>>
    %dma_wait3A_497 = tpu.memref_slice %arg7[%dma_wait3A_486] : memref<3x!tpu.dma_semaphore, #tpu.memory_space<semaphore_mem>> -> memref<1x!tpu.dma_semaphore, #tpu.memory_space<semaphore_mem>>
    %dma_wait3A_498 = tpu.memref_squeeze %dma_wait3A_497 : memref<1x!tpu.dma_semaphore, #tpu.memory_space<semaphore_mem>> -> memref<!tpu.dma_semaphore, #tpu.memory_space<semaphore_mem>>
    tpu.wait_indirect_dma semaphore(%dma_wait3A_498 : memref<!tpu.dma_semaphore, #tpu.memory_space<semaphore_mem>>) src(%dma_wait3A_496 : memref<151936x1024xf32, #tpu.memory_space<hbm>>) dst(%dma_wait3A_490 : memref<32x1024xf32, #tpu.memory_space<vmem>>)
    %add3A_499 = arith.constant 192 : i32
    %add3A_500 = arith.addi %mul3A_32, %add3A_499 : i32
    %dma_start3A_501 = arith.constant 0 : i32
    %dma_start3A_502 = arith.constant 0 : i32
    %dma_start3A_503 = arith.constant 0 : i32
    %dma_start3A_504 = arith.constant 0 : i32
    %dma_start3A_505 = tpu.memref_slice %arg6[%dma_start3A_501, %dma_start3A_503, %dma_start3A_504] : memref<3x32x1024xf32, #tpu.memory_space<vmem>> -> memref<1x32x1024xf32, #tpu.memory_space<vmem>>
    %dma_start3A_506 = tpu.memref_squeeze %dma_start3A_505 : memref<1x32x1024xf32, #tpu.memory_space<vmem>> -> memref<32x1024xf32, #tpu.memory_space<vmem>>
    %dma_start3A_507 = arith.constant 0 : i32
    %dma_start3A_508 = tpu.memref_slice %arg4[%select_n3A, %add3A_500, %dma_start3A_507] : memref<2x4096x1024xf32, #tpu.memory_space<hbm>> -> memref<1x32x1024xf32, #tpu.memory_space<hbm>>
    %dma_start3A_509 = tpu.memref_squeeze %dma_start3A_508 : memref<1x32x1024xf32, #tpu.memory_space<hbm>> -> memref<32x1024xf32, #tpu.memory_space<hbm>>
    %dma_start3A_510 = tpu.memref_slice %arg8[%dma_start3A_502] : memref<3x!tpu.dma_semaphore, #tpu.memory_space<semaphore_mem>> -> memref<1x!tpu.dma_semaphore, #tpu.memory_space<semaphore_mem>>
    %dma_start3A_511 = tpu.memref_squeeze %dma_start3A_510 : memref<1x!tpu.dma_semaphore, #tpu.memory_space<semaphore_mem>> -> memref<!tpu.dma_semaphore, #tpu.memory_space<semaphore_mem>>
    %dma_start3A_512 = arith.constant 0 : i32
    %dma_start3A_513 = tpu.memref_slice %arg4[%select_n3A, %add3A_500, %dma_start3A_512] : memref<2x4096x1024xf32, #tpu.memory_space<hbm>> -> memref<1x32x1024xf32, #tpu.memory_space<hbm>>
    %dma_start3A_514 = tpu.memref_squeeze %dma_start3A_513 : memref<1x32x1024xf32, #tpu.memory_space<hbm>> -> memref<32x1024xf32, #tpu.memory_space<hbm>>
    %dma_start3A_515 = arith.constant 0 : i32
    %dma_start3A_516 = arith.constant 0 : i32
    %dma_start3A_517 = tpu.memref_slice %arg6[%dma_start3A_501, %dma_start3A_515, %dma_start3A_516] : memref<3x32x1024xf32, #tpu.memory_space<vmem>> -> memref<1x32x1024xf32, #tpu.memory_space<vmem>>
    %dma_start3A_518 = tpu.memref_squeeze %dma_start3A_517 : memref<1x32x1024xf32, #tpu.memory_space<vmem>> -> memref<32x1024xf32, #tpu.memory_space<vmem>>
    tpu.enqueue_dma source(%dma_start3A_518 : memref<32x1024xf32, #tpu.memory_space<vmem>>) target(%dma_start3A_514 : memref<32x1024xf32, #tpu.memory_space<hbm>>) target_semaphore(%dma_start3A_511 : memref<!tpu.dma_semaphore, #tpu.memory_space<semaphore_mem>>)
    %dma_wait3A_519 = arith.constant 1 : i32
    %dma_wait3A_520 = arith.constant 1 : i32
    %dma_wait3A_521 = arith.constant 1 : i32
    %dma_wait3A_522 = arith.constant 0 : i32
    %dma_wait3A_523 = arith.constant 0 : i32
    %dma_wait3A_524 = tpu.memref_slice %arg6[%dma_wait3A_520, %dma_wait3A_522, %dma_wait3A_523] : memref<3x32x1024xf32, #tpu.memory_space<vmem>> -> memref<1x32x1024xf32, #tpu.memory_space<vmem>>
    %dma_wait3A_525 = tpu.memref_squeeze %dma_wait3A_524 : memref<1x32x1024xf32, #tpu.memory_space<vmem>> -> memref<32x1024xf32, #tpu.memory_space<vmem>>
    %dma_wait3A_526 = arith.constant 0 : i32
    %dma_wait3A_527 = tpu.memref_slice %arg5[%dma_wait3A_519, %dma_wait3A_526] : memref<3x32xi32, #tpu.memory_space<vmem>> -> memref<1x32xi32, #tpu.memory_space<vmem>>
    %dma_wait3A_528 = tpu.memref_squeeze %dma_wait3A_527 : memref<1x32xi32, #tpu.memory_space<vmem>> -> memref<32xi32, #tpu.memory_space<vmem>>
    %dma_wait3A_529 = arith.constant 0 : i32
    %dma_wait3A_530 = arith.constant 0 : i32
    %dma_wait3A_531 = tpu.memref_slice %arg3[%dma_wait3A_529, %dma_wait3A_530] : memref<151936x1024xf32, #tpu.memory_space<hbm>> -> memref<151936x1024xf32, #tpu.memory_space<hbm>>
    %dma_wait3A_532 = tpu.memref_slice %arg7[%dma_wait3A_521] : memref<3x!tpu.dma_semaphore, #tpu.memory_space<semaphore_mem>> -> memref<1x!tpu.dma_semaphore, #tpu.memory_space<semaphore_mem>>
    %dma_wait3A_533 = tpu.memref_squeeze %dma_wait3A_532 : memref<1x!tpu.dma_semaphore, #tpu.memory_space<semaphore_mem>> -> memref<!tpu.dma_semaphore, #tpu.memory_space<semaphore_mem>>
    tpu.wait_indirect_dma semaphore(%dma_wait3A_533 : memref<!tpu.dma_semaphore, #tpu.memory_space<semaphore_mem>>) src(%dma_wait3A_531 : memref<151936x1024xf32, #tpu.memory_space<hbm>>) dst(%dma_wait3A_525 : memref<32x1024xf32, #tpu.memory_space<vmem>>)
    %add3A_534 = arith.constant 224 : i32
    %add3A_535 = arith.addi %mul3A_32, %add3A_534 : i32
    %dma_start3A_536 = arith.constant 1 : i32
    %dma_start3A_537 = arith.constant 1 : i32
    %dma_start3A_538 = arith.constant 0 : i32
    %dma_start3A_539 = arith.constant 0 : i32
    %dma_start3A_540 = tpu.memref_slice %arg6[%dma_start3A_536, %dma_start3A_538, %dma_start3A_539] : memref<3x32x1024xf32, #tpu.memory_space<vmem>> -> memref<1x32x1024xf32, #tpu.memory_space<vmem>>
    %dma_start3A_541 = tpu.memref_squeeze %dma_start3A_540 : memref<1x32x1024xf32, #tpu.memory_space<vmem>> -> memref<32x1024xf32, #tpu.memory_space<vmem>>
    %dma_start3A_542 = arith.constant 0 : i32
    %dma_start3A_543 = tpu.memref_slice %arg4[%select_n3A, %add3A_535, %dma_start3A_542] : memref<2x4096x1024xf32, #tpu.memory_space<hbm>> -> memref<1x32x1024xf32, #tpu.memory_space<hbm>>
    %dma_start3A_544 = tpu.memref_squeeze %dma_start3A_543 : memref<1x32x1024xf32, #tpu.memory_space<hbm>> -> memref<32x1024xf32, #tpu.memory_space<hbm>>
    %dma_start3A_545 = tpu.memref_slice %arg8[%dma_start3A_537] : memref<3x!tpu.dma_semaphore, #tpu.memory_space<semaphore_mem>> -> memref<1x!tpu.dma_semaphore, #tpu.memory_space<semaphore_mem>>
    %dma_start3A_546 = tpu.memref_squeeze %dma_start3A_545 : memref<1x!tpu.dma_semaphore, #tpu.memory_space<semaphore_mem>> -> memref<!tpu.dma_semaphore, #tpu.memory_space<semaphore_mem>>
    %dma_start3A_547 = arith.constant 0 : i32
    %dma_start3A_548 = tpu.memref_slice %arg4[%select_n3A, %add3A_535, %dma_start3A_547] : memref<2x4096x1024xf32, #tpu.memory_space<hbm>> -> memref<1x32x1024xf32, #tpu.memory_space<hbm>>
    %dma_start3A_549 = tpu.memref_squeeze %dma_start3A_548 : memref<1x32x1024xf32, #tpu.memory_space<hbm>> -> memref<32x1024xf32, #tpu.memory_space<hbm>>
    %dma_start3A_550 = arith.constant 0 : i32
    %dma_start3A_551 = arith.constant 0 : i32
    %dma_start3A_552 = tpu.memref_slice %arg6[%dma_start3A_536, %dma_start3A_550, %dma_start3A_551] : memref<3x32x1024xf32, #tpu.memory_space<vmem>> -> memref<1x32x1024xf32, #tpu.memory_space<vmem>>
    %dma_start3A_553 = tpu.memref_squeeze %dma_start3A_552 : memref<1x32x1024xf32, #tpu.memory_space<vmem>> -> memref<32x1024xf32, #tpu.memory_space<vmem>>
    tpu.enqueue_dma source(%dma_start3A_553 : memref<32x1024xf32, #tpu.memory_space<vmem>>) target(%dma_start3A_549 : memref<32x1024xf32, #tpu.memory_space<hbm>>) target_semaphore(%dma_start3A_546 : memref<!tpu.dma_semaphore, #tpu.memory_space<semaphore_mem>>)
    %add3A_554 = arith.constant 160 : i32
    %add3A_555 = arith.addi %mul3A_32, %add3A_554 : i32
    %dma_wait3A_556 = arith.constant 2 : i32
    %dma_wait3A_557 = arith.constant 2 : i32
    %dma_wait3A_558 = arith.constant 0 : i32
    %dma_wait3A_559 = arith.constant 0 : i32
    %dma_wait3A_560 = tpu.memref_slice %arg6[%dma_wait3A_556, %dma_wait3A_558, %dma_wait3A_559] : memref<3x32x1024xf32, #tpu.memory_space<vmem>> -> memref<1x32x1024xf32, #tpu.memory_space<vmem>>
    %dma_wait3A_561 = tpu.memref_squeeze %dma_wait3A_560 : memref<1x32x1024xf32, #tpu.memory_space<vmem>> -> memref<32x1024xf32, #tpu.memory_space<vmem>>
    %dma_wait3A_562 = arith.constant 0 : i32
    %dma_wait3A_563 = tpu.memref_slice %arg4[%select_n3A, %add3A_555, %dma_wait3A_562] : memref<2x4096x1024xf32, #tpu.memory_space<hbm>> -> memref<1x32x1024xf32, #tpu.memory_space<hbm>>
    %dma_wait3A_564 = tpu.memref_squeeze %dma_wait3A_563 : memref<1x32x1024xf32, #tpu.memory_space<hbm>> -> memref<32x1024xf32, #tpu.memory_space<hbm>>
    %dma_wait3A_565 = tpu.memref_slice %arg8[%dma_wait3A_557] : memref<3x!tpu.dma_semaphore, #tpu.memory_space<semaphore_mem>> -> memref<1x!tpu.dma_semaphore, #tpu.memory_space<semaphore_mem>>
    %dma_wait3A_566 = tpu.memref_squeeze %dma_wait3A_565 : memref<1x!tpu.dma_semaphore, #tpu.memory_space<semaphore_mem>> -> memref<!tpu.dma_semaphore, #tpu.memory_space<semaphore_mem>>
    %dma_wait3A_567 = arith.constant 0 : i32
    %dma_wait3A_568 = tpu.memref_slice %arg4[%select_n3A, %add3A_555, %dma_wait3A_567] : memref<2x4096x1024xf32, #tpu.memory_space<hbm>> -> memref<1x32x1024xf32, #tpu.memory_space<hbm>>
    %dma_wait3A_569 = tpu.memref_squeeze %dma_wait3A_568 : memref<1x32x1024xf32, #tpu.memory_space<hbm>> -> memref<32x1024xf32, #tpu.memory_space<hbm>>
    %dma_wait3A_570 = arith.constant 0 : i32
    %dma_wait3A_571 = arith.constant 0 : i32
    %dma_wait3A_572 = tpu.memref_slice %arg6[%dma_wait3A_556, %dma_wait3A_570, %dma_wait3A_571] : memref<3x32x1024xf32, #tpu.memory_space<vmem>> -> memref<1x32x1024xf32, #tpu.memory_space<vmem>>
    %dma_wait3A_573 = tpu.memref_squeeze %dma_wait3A_572 : memref<1x32x1024xf32, #tpu.memory_space<vmem>> -> memref<32x1024xf32, #tpu.memory_space<vmem>>
    tpu.wait_dma2 semaphore(%dma_wait3A_566 : memref<!tpu.dma_semaphore, #tpu.memory_space<semaphore_mem>>) src(%dma_wait3A_573 : memref<32x1024xf32, #tpu.memory_space<vmem>>) dst(%dma_wait3A_569 : memref<32x1024xf32, #tpu.memory_space<hbm>>)
    %add3A_574 = arith.constant 192 : i32
    %add3A_575 = arith.addi %mul3A_32, %add3A_574 : i32
    %dma_wait3A_576 = arith.constant 0 : i32
    %dma_wait3A_577 = arith.constant 0 : i32
    %dma_wait3A_578 = arith.constant 0 : i32
    %dma_wait3A_579 = arith.constant 0 : i32
    %dma_wait3A_580 = tpu.memref_slice %arg6[%dma_wait3A_576, %dma_wait3A_578, %dma_wait3A_579] : memref<3x32x1024xf32, #tpu.memory_space<vmem>> -> memref<1x32x1024xf32, #tpu.memory_space<vmem>>
    %dma_wait3A_581 = tpu.memref_squeeze %dma_wait3A_580 : memref<1x32x1024xf32, #tpu.memory_space<vmem>> -> memref<32x1024xf32, #tpu.memory_space<vmem>>
    %dma_wait3A_582 = arith.constant 0 : i32
    %dma_wait3A_583 = tpu.memref_slice %arg4[%select_n3A, %add3A_575, %dma_wait3A_582] : memref<2x4096x1024xf32, #tpu.memory_space<hbm>> -> memref<1x32x1024xf32, #tpu.memory_space<hbm>>
    %dma_wait3A_584 = tpu.memref_squeeze %dma_wait3A_583 : memref<1x32x1024xf32, #tpu.memory_space<hbm>> -> memref<32x1024xf32, #tpu.memory_space<hbm>>
    %dma_wait3A_585 = tpu.memref_slice %arg8[%dma_wait3A_577] : memref<3x!tpu.dma_semaphore, #tpu.memory_space<semaphore_mem>> -> memref<1x!tpu.dma_semaphore, #tpu.memory_space<semaphore_mem>>
    %dma_wait3A_586 = tpu.memref_squeeze %dma_wait3A_585 : memref<1x!tpu.dma_semaphore, #tpu.memory_space<semaphore_mem>> -> memref<!tpu.dma_semaphore, #tpu.memory_space<semaphore_mem>>
    %dma_wait3A_587 = arith.constant 0 : i32
    %dma_wait3A_588 = tpu.memref_slice %arg4[%select_n3A, %add3A_575, %dma_wait3A_587] : memref<2x4096x1024xf32, #tpu.memory_space<hbm>> -> memref<1x32x1024xf32, #tpu.memory_space<hbm>>
    %dma_wait3A_589 = tpu.memref_squeeze %dma_wait3A_588 : memref<1x32x1024xf32, #tpu.memory_space<hbm>> -> memref<32x1024xf32, #tpu.memory_space<hbm>>
    %dma_wait3A_590 = arith.constant 0 : i32
    %dma_wait3A_591 = arith.constant 0 : i32
    %dma_wait3A_592 = tpu.memref_slice %arg6[%dma_wait3A_576, %dma_wait3A_590, %dma_wait3A_591] : memref<3x32x1024xf32, #tpu.memory_space<vmem>> -> memref<1x32x1024xf32, #tpu.memory_space<vmem>>
    %dma_wait3A_593 = tpu.memref_squeeze %dma_wait3A_592 : memref<1x32x1024xf32, #tpu.memory_space<vmem>> -> memref<32x1024xf32, #tpu.memory_space<vmem>>
    tpu.wait_dma2 semaphore(%dma_wait3A_586 : memref<!tpu.dma_semaphore, #tpu.memory_space<semaphore_mem>>) src(%dma_wait3A_593 : memref<32x1024xf32, #tpu.memory_space<vmem>>) dst(%dma_wait3A_589 : memref<32x1024xf32, #tpu.memory_space<hbm>>)
    %add3A_594 = arith.constant 224 : i32
    %add3A_595 = arith.addi %mul3A_32, %add3A_594 : i32
    %dma_wait3A_596 = arith.constant 1 : i32
    %dma_wait3A_597 = arith.constant 1 : i32
    %dma_wait3A_598 = arith.constant 0 : i32
    %dma_wait3A_599 = arith.constant 0 : i32
    %dma_wait3A_600 = tpu.memref_slice %arg6[%dma_wait3A_596, %dma_wait3A_598, %dma_wait3A_599] : memref<3x32x1024xf32, #tpu.memory_space<vmem>> -> memref<1x32x1024xf32, #tpu.memory_space<vmem>>
    %dma_wait3A_601 = tpu.memref_squeeze %dma_wait3A_600 : memref<1x32x1024xf32, #tpu.memory_space<vmem>> -> memref<32x1024xf32, #tpu.memory_space<vmem>>
    %dma_wait3A_602 = arith.constant 0 : i32
    %dma_wait3A_603 = tpu.memref_slice %arg4[%select_n3A, %add3A_595, %dma_wait3A_602] : memref<2x4096x1024xf32, #tpu.memory_space<hbm>> -> memref<1x32x1024xf32, #tpu.memory_space<hbm>>
    %dma_wait3A_604 = tpu.memref_squeeze %dma_wait3A_603 : memref<1x32x1024xf32, #tpu.memory_space<hbm>> -> memref<32x1024xf32, #tpu.memory_space<hbm>>
    %dma_wait3A_605 = tpu.memref_slice %arg8[%dma_wait3A_597] : memref<3x!tpu.dma_semaphore, #tpu.memory_space<semaphore_mem>> -> memref<1x!tpu.dma_semaphore, #tpu.memory_space<semaphore_mem>>
    %dma_wait3A_606 = tpu.memref_squeeze %dma_wait3A_605 : memref<1x!tpu.dma_semaphore, #tpu.memory_space<semaphore_mem>> -> memref<!tpu.dma_semaphore, #tpu.memory_space<semaphore_mem>>
    %dma_wait3A_607 = arith.constant 0 : i32
    %dma_wait3A_608 = tpu.memref_slice %arg4[%select_n3A, %add3A_595, %dma_wait3A_607] : memref<2x4096x1024xf32, #tpu.memory_space<hbm>> -> memref<1x32x1024xf32, #tpu.memory_space<hbm>>
    %dma_wait3A_609 = tpu.memref_squeeze %dma_wait3A_608 : memref<1x32x1024xf32, #tpu.memory_space<hbm>> -> memref<32x1024xf32, #tpu.memory_space<hbm>>
    %dma_wait3A_610 = arith.constant 0 : i32
    %dma_wait3A_611 = arith.constant 0 : i32
    %dma_wait3A_612 = tpu.memref_slice %arg6[%dma_wait3A_596, %dma_wait3A_610, %dma_wait3A_611] : memref<3x32x1024xf32, #tpu.memory_space<vmem>> -> memref<1x32x1024xf32, #tpu.memory_space<vmem>>
    %dma_wait3A_613 = tpu.memref_squeeze %dma_wait3A_612 : memref<1x32x1024xf32, #tpu.memory_space<vmem>> -> memref<32x1024xf32, #tpu.memory_space<vmem>>
    tpu.wait_dma2 semaphore(%dma_wait3A_606 : memref<!tpu.dma_semaphore, #tpu.memory_space<semaphore_mem>>) src(%dma_wait3A_613 : memref<32x1024xf32, #tpu.memory_space<vmem>>) dst(%dma_wait3A_609 : memref<32x1024xf32, #tpu.memory_space<hbm>>)
    return
  }
}

module attributes {stable_mosaic.version = 14 : i64} {
  func.func @_mask_body(%arg0: i32, %arg1: i32, %arg2: memref<2x4096xi32, #tpu.memory_space<vmem>>, %arg3: memref<1x64xf32, #tpu.memory_space<vmem>>, %arg4: memref<2x4096x4096xf32, #tpu.memory_space<any>>, %arg5: memref<1x4096x128xf32, #tpu.memory_space<vmem>>, %arg6: memref<1x4096x128xf32, #tpu.memory_space<vmem>>, %arg7: memref<1x4096xi32, #tpu.memory_space<vmem>>, %arg8: memref<1x4096xi32, #tpu.memory_space<vmem>>, %arg9: memref<4x256x4096xf32, #tpu.memory_space<vmem>>, %arg10: memref<4x!tpu.dma_semaphore, #tpu.memory_space<semaphore_mem>>) attributes {dimension_semantics = [#tpu.dimension_semantics<arbitrary>, #tpu.dimension_semantics<arbitrary>], iteration_bounds = array<i64: 2, 16>, scalar_prefetch = 0 : i64, scratch_operands = 2 : i64, tpu.core_type = #tpu.core_type<tc>, window_params = [{pipeline_mode = #tpu.pipeline_mode<synchronous>, transform_indices = @transform_0, window_bounds = array<i64: 2, 4096>}, {pipeline_mode = #tpu.pipeline_mode<synchronous>, transform_indices = @transform_1, window_bounds = array<i64: 1, 64>}, {}, {pipeline_mode = #tpu.pipeline_mode<synchronous>, transform_indices = @transform_3, window_bounds = array<i64: 1, 4096, 128>}, {pipeline_mode = #tpu.pipeline_mode<synchronous>, transform_indices = @transform_4, window_bounds = array<i64: 1, 4096, 128>}, {pipeline_mode = #tpu.pipeline_mode<synchronous>, transform_indices = @transform_5, window_bounds = array<i64: 1, 4096>}, {pipeline_mode = #tpu.pipeline_mode<synchronous>, transform_indices = @transform_6, window_bounds = array<i64: 1, 4096>}]} {
    %mul3A = arith.constant 16 : i32
    %mul3A_0 = arith.muli %arg0, %mul3A : i32
    %add3A = arith.addi %mul3A_0, %arg1 : i32
    %jit3A = arith.constant 4 : i32
    %eq3A = arith.constant 0 : i32
    %eq3A_1 = arith.cmpi eq, %jit3A, %eq3A : i32
    %jit3A_2 = arith.constant 1 : i32
    %select_n3A = arith.select %eq3A_1, %jit3A_2, %jit3A : i32
    %rem3A = arith.remsi %add3A, %select_n3A : i32
    %ne3A = arith.constant 0 : i32
    %ne3A_3 = arith.cmpi ne, %rem3A, %ne3A : i32
    %lt3A = arith.constant 0 : i32
    %lt3A_4 = arith.cmpi slt, %rem3A, %lt3A : i32
    %lt3A_5 = arith.constant 0 : i32
    %lt3A_6 = arith.cmpi slt, %select_n3A, %lt3A_5 : i32
    %ne3A_7 = arith.xori %lt3A_4, %lt3A_6 : i1
    %and3A = arith.andi %ne3A_7, %ne3A_3 : i1
    %add3A_8 = arith.addi %rem3A, %select_n3A : i32
    %select_n3A_9 = arith.select %and3A, %add3A_8, %rem3A : i32
    %ge3A = arith.constant 4 : i32
    %ge3A_10 = arith.cmpi sge, %add3A, %ge3A : i32
    %convert_element_type3A = arith.extui %ge3A_10 : i1 to i32
    %cond3A = arith.constant 0 : i32
    %cond3A_11 = arith.cmpi ne, %convert_element_type3A, %cond3A : i32
    scf.if %cond3A_11 {
      %mul3A_61 = arith.constant 256 : i32
      %mul3A_62 = arith.muli %arg1, %mul3A_61 : i32
      %dma_wait3A = tpu.memref_slice %arg10[%select_n3A_9] : memref<4x!tpu.dma_semaphore, #tpu.memory_space<semaphore_mem>> -> memref<1x!tpu.dma_semaphore, #tpu.memory_space<semaphore_mem>>
      %dma_wait3A_63 = tpu.memref_squeeze %dma_wait3A : memref<1x!tpu.dma_semaphore, #tpu.memory_space<semaphore_mem>> -> memref<!tpu.dma_semaphore, #tpu.memory_space<semaphore_mem>>
      %dma_wait3A_64 = arith.constant 0 : i32
      %dma_wait3A_65 = tpu.memref_slice %arg4[%arg0, %mul3A_62, %dma_wait3A_64] : memref<2x4096x4096xf32, #tpu.memory_space<any>> -> memref<1x256x4096xf32, #tpu.memory_space<any>>
      %dma_wait3A_66 = tpu.memref_squeeze %dma_wait3A_65 : memref<1x256x4096xf32, #tpu.memory_space<any>> -> memref<256x4096xf32, #tpu.memory_space<any>>
      %dma_wait3A_67 = arith.constant 0 : i32
      %dma_wait3A_68 = arith.constant 0 : i32
      %dma_wait3A_69 = tpu.memref_slice %arg9[%select_n3A_9, %dma_wait3A_67, %dma_wait3A_68] : memref<4x256x4096xf32, #tpu.memory_space<vmem>> -> memref<1x256x4096xf32, #tpu.memory_space<vmem>>
      %dma_wait3A_70 = tpu.memref_squeeze %dma_wait3A_69 : memref<1x256x4096xf32, #tpu.memory_space<vmem>> -> memref<256x4096xf32, #tpu.memory_space<vmem>>
      tpu.wait_dma2 semaphore(%dma_wait3A_63 : memref<!tpu.dma_semaphore, #tpu.memory_space<semaphore_mem>>) src(%dma_wait3A_70 : memref<256x4096xf32, #tpu.memory_space<vmem>>) dst(%dma_wait3A_66 : memref<256x4096xf32, #tpu.memory_space<any>>)
    } else {
    }
    %iota3A = tpu.iota {dimensions = array<i32: 0>} : vector<256x4096xi32>
    %mul3A_12 = arith.constant 256 : i32
    %mul3A_13 = arith.muli %arg1, %mul3A_12 : i32
    %add3A_14 = vector.broadcast %mul3A_13 : i32 to vector<256x4096xi32>
    %add3A_15 = arith.addi %iota3A, %add3A_14 : vector<256x4096xi32>
    %iota3A_16 = tpu.iota {dimensions = array<i32: 1>} : vector<256x4096xi32>
    %eq3A_17 = arith.constant 0 : i32
    %eq3A_18 = arith.cmpi eq, %arg0, %eq3A_17 : i32
    %get3A = arith.constant 0 : index
    %get3A_19 = arith.constant 0 : index
    %get3A_20 = vector.load %arg2[%get3A, %get3A_19] : memref<2x4096xi32, #tpu.memory_space<vmem>>, vector<1x4096xi32>
    %get3A_21 = vector.shape_cast %get3A_20 : vector<1x4096xi32> to vector<4096xi32>
    %get3A_22 = arith.constant 1 : index
    %get3A_23 = arith.constant 0 : index
    %get3A_24 = vector.load %arg2[%get3A_22, %get3A_23] : memref<2x4096xi32, #tpu.memory_space<vmem>>, vector<1x4096xi32>
    %get3A_25 = vector.shape_cast %get3A_24 : vector<1x4096xi32> to vector<4096xi32>
    %select_n3A_26 = arith.select %eq3A_18, %get3A_21, %get3A_25 : vector<4096xi32>
    %eq3A_27 = arith.constant 0 : i32
    %eq3A_28 = vector.broadcast %eq3A_27 : i32 to vector<4096xi32>
    %eq3A_29 = arith.cmpi eq, %select_n3A_26, %eq3A_28 : vector<4096xi32>
    %broadcast_in_dim3A = vector.shape_cast %eq3A_29 : vector<4096xi1> to vector<1x4096xi1>
    %gt3A = arith.cmpi sgt, %iota3A_16, %add3A_15 : vector<256x4096xi32>
    %or3A = vector.broadcast %broadcast_in_dim3A : vector<1x4096xi1> to vector<256x4096xi1>
    %or3A_30 = arith.ori %gt3A, %or3A : vector<256x4096xi1>
    %jit3A_31 = arith.constant -3.40282347E+38 : f32
    %jit3A_32 = arith.constant 0.000000e+00 : f32
    %broadcast_in_dim3A_33 = vector.broadcast %jit3A_31 : f32 to vector<256x4096xf32>
    %broadcast_in_dim3A_34 = vector.broadcast %jit3A_32 : f32 to vector<256x4096xf32>
    %select_n3A_35 = arith.select %or3A_30, %broadcast_in_dim3A_33, %broadcast_in_dim3A_34 : vector<256x4096xi1>, vector<256x4096xf32>
    %swap3A = arith.index_cast %select_n3A_9 : i32 to index
    %swap3A_36 = arith.constant 0 : index
    %swap3A_37 = arith.constant 0 : index
    %swap3A_38 = vector.load %arg9[%swap3A, %swap3A_36, %swap3A_37] : memref<4x256x4096xf32, #tpu.memory_space<vmem>>, vector<1x256x4096xf32>
    %swap3A_39 = vector.shape_cast %swap3A_38 : vector<1x256x4096xf32> to vector<256x4096xf32>
    %swap3A_40 = vector.shape_cast %select_n3A_35 : vector<256x4096xf32> to vector<1x256x4096xf32>
    tpu.vector_store %arg9[%swap3A, %swap3A_36, %swap3A_37], %swap3A_40 {strides = array<i32>} : memref<4x256x4096xf32, #tpu.memory_space<vmem>>, vector<1x256x4096xf32>,
    %mul3A_41 = arith.constant 256 : i32
    %mul3A_42 = arith.muli %arg1, %mul3A_41 : i32
    %dma_start3A = tpu.memref_slice %arg10[%select_n3A_9] : memref<4x!tpu.dma_semaphore, #tpu.memory_space<semaphore_mem>> -> memref<1x!tpu.dma_semaphore, #tpu.memory_space<semaphore_mem>>
    %dma_start3A_43 = tpu.memref_squeeze %dma_start3A : memref<1x!tpu.dma_semaphore, #tpu.memory_space<semaphore_mem>> -> memref<!tpu.dma_semaphore, #tpu.memory_space<semaphore_mem>>
    %dma_start3A_44 = arith.constant 0 : i32
    %dma_start3A_45 = tpu.memref_slice %arg4[%arg0, %mul3A_42, %dma_start3A_44] : memref<2x4096x4096xf32, #tpu.memory_space<any>> -> memref<1x256x4096xf32, #tpu.memory_space<any>>
    %dma_start3A_46 = tpu.memref_squeeze %dma_start3A_45 : memref<1x256x4096xf32, #tpu.memory_space<any>> -> memref<256x4096xf32, #tpu.memory_space<any>>
    %dma_start3A_47 = arith.constant 0 : i32
    %dma_start3A_48 = arith.constant 0 : i32
    %dma_start3A_49 = tpu.memref_slice %arg9[%select_n3A_9, %dma_start3A_47, %dma_start3A_48] : memref<4x256x4096xf32, #tpu.memory_space<vmem>> -> memref<1x256x4096xf32, #tpu.memory_space<vmem>>
    %dma_start3A_50 = tpu.memref_squeeze %dma_start3A_49 : memref<1x256x4096xf32, #tpu.memory_space<vmem>> -> memref<256x4096xf32, #tpu.memory_space<vmem>>
    tpu.enqueue_dma source(%dma_start3A_50 : memref<256x4096xf32, #tpu.memory_space<vmem>>) target(%dma_start3A_46 : memref<256x4096xf32, #tpu.memory_space<any>>) target_semaphore(%dma_start3A_43 : memref<!tpu.dma_semaphore, #tpu.memory_space<semaphore_mem>>)
    %eq3A_51 = arith.constant 0 : i32
    %eq3A_52 = arith.cmpi eq, %add3A, %eq3A_51 : i32
    %convert_element_type3A_53 = arith.extui %eq3A_52 : i1 to i32
    %cond3A_54 = arith.constant 0 : i32
    %cond3A_55 = arith.cmpi ne, %convert_element_type3A_53, %cond3A_54 : i32
    scf.if %cond3A_55 {
      %get3A_61 = arith.constant 0 : index
      %get3A_62 = arith.constant 0 : index
      %get3A_63 = vector.load %arg3[%get3A_61, %get3A_62] : memref<1x64xf32, #tpu.memory_space<vmem>>, vector<1x64xf32>
      %get3A_64 = vector.shape_cast %get3A_63 : vector<1x64xf32> to vector<64xf32>
      %broadcast_in_dim3A_65 = vector.shape_cast %get3A_64 : vector<64xf32> to vector<1x64xf32>
      %concatenate3A = tpu.concatenate %broadcast_in_dim3A_65, %broadcast_in_dim3A_65 in 1 : vector<1x64xf32>, vector<1x64xf32> -> vector<1x128xf32>
      %iota3A_66 = tpu.iota {dimensions = array<i32: 0>} : vector<64x128xi32>
      %mul3A_67 = arith.constant 64 : i32
      %mul3A_68 = vector.broadcast %mul3A_67 : i32 to vector<64x128xi32>
      %mul3A_69 = arith.muli %iota3A_66, %mul3A_68 : vector<64x128xi32>
      %convert_element_type3A_70 = arith.sitofp %mul3A_69 : vector<64x128xi32> to vector<64x128xf32>
      %mul3A_71 = vector.broadcast %concatenate3A : vector<1x128xf32> to vector<64x128xf32>
      %mul3A_72 = arith.mulf %convert_element_type3A_70, %mul3A_71 : vector<64x128xf32>
      %iota3A_73 = tpu.iota {dimensions = array<i32: 0>} : vector<64x128xi32>
      %convert_element_type3A_74 = arith.sitofp %iota3A_73 : vector<64x128xi32> to vector<64x128xf32>
      %mul3A_75 = vector.broadcast %concatenate3A : vector<1x128xf32> to vector<64x128xf32>
      %mul3A_76 = arith.mulf %convert_element_type3A_74, %mul3A_75 : vector<64x128xf32>
      %cos3A = math.cos %mul3A_72 : vector<64x128xf32>
      %broadcast_in_dim3A_77 = vector.shape_cast %cos3A : vector<64x128xf32> to vector<64x1x128xf32>
      %sin3A = math.sin %mul3A_72 : vector<64x128xf32>
      %broadcast_in_dim3A_78 = vector.shape_cast %sin3A : vector<64x128xf32> to vector<64x1x128xf32>
      %cos3A_79 = math.cos %mul3A_76 : vector<64x128xf32>
      %broadcast_in_dim3A_80 = vector.shape_cast %cos3A_79 : vector<64x128xf32> to vector<1x64x128xf32>
      %sin3A_81 = math.sin %mul3A_76 : vector<64x128xf32>
      %broadcast_in_dim3A_82 = vector.shape_cast %sin3A_81 : vector<64x128xf32> to vector<1x64x128xf32>
      %mul3A_83 = vector.broadcast %broadcast_in_dim3A_77 : vector<64x1x128xf32> to vector<64x64x128xf32>
      %mul3A_84 = vector.broadcast %broadcast_in_dim3A_80 : vector<1x64x128xf32> to vector<64x64x128xf32>
      %mul3A_85 = arith.mulf %mul3A_83, %mul3A_84 : vector<64x64x128xf32>
      %mul3A_86 = vector.broadcast %broadcast_in_dim3A_78 : vector<64x1x128xf32> to vector<64x64x128xf32>
      %mul3A_87 = vector.broadcast %broadcast_in_dim3A_82 : vector<1x64x128xf32> to vector<64x64x128xf32>
      %mul3A_88 = arith.mulf %mul3A_86, %mul3A_87 : vector<64x64x128xf32>
      %sub3A = arith.subf %mul3A_85, %mul3A_88 : vector<64x64x128xf32>
      %reshape3A = vector.shape_cast %sub3A : vector<64x64x128xf32> to vector<4096x128xf32>
      %swap3A_89 = arith.constant 0 : index
      %swap3A_90 = arith.constant 0 : index
      %swap3A_91 = arith.constant 0 : index
      %swap3A_92 = vector.load %arg5[%swap3A_89, %swap3A_90, %swap3A_91] : memref<1x4096x128xf32, #tpu.memory_space<vmem>>, vector<1x4096x128xf32>
      %swap3A_93 = vector.shape_cast %swap3A_92 : vector<1x4096x128xf32> to vector<4096x128xf32>
      %swap3A_94 = vector.shape_cast %reshape3A : vector<4096x128xf32> to vector<1x4096x128xf32>
      tpu.vector_store %arg5[%swap3A_89, %swap3A_90, %swap3A_91], %swap3A_94 {strides = array<i32>} : memref<1x4096x128xf32, #tpu.memory_space<vmem>>, vector<1x4096x128xf32>,
      %mul3A_95 = vector.broadcast %broadcast_in_dim3A_78 : vector<64x1x128xf32> to vector<64x64x128xf32>
      %mul3A_96 = vector.broadcast %broadcast_in_dim3A_80 : vector<1x64x128xf32> to vector<64x64x128xf32>
      %mul3A_97 = arith.mulf %mul3A_95, %mul3A_96 : vector<64x64x128xf32>
      %mul3A_98 = vector.broadcast %broadcast_in_dim3A_77 : vector<64x1x128xf32> to vector<64x64x128xf32>
      %mul3A_99 = vector.broadcast %broadcast_in_dim3A_82 : vector<1x64x128xf32> to vector<64x64x128xf32>
      %mul3A_100 = arith.mulf %mul3A_98, %mul3A_99 : vector<64x64x128xf32>
      %add3A_101 = arith.addf %mul3A_97, %mul3A_100 : vector<64x64x128xf32>
      %reshape3A_102 = vector.shape_cast %add3A_101 : vector<64x64x128xf32> to vector<4096x128xf32>
      %swap3A_103 = arith.constant 0 : index
      %swap3A_104 = arith.constant 0 : index
      %swap3A_105 = arith.constant 0 : index
      %swap3A_106 = vector.load %arg6[%swap3A_103, %swap3A_104, %swap3A_105] : memref<1x4096x128xf32, #tpu.memory_space<vmem>>, vector<1x4096x128xf32>
      %swap3A_107 = vector.shape_cast %swap3A_106 : vector<1x4096x128xf32> to vector<4096x128xf32>
      %swap3A_108 = vector.shape_cast %reshape3A_102 : vector<4096x128xf32> to vector<1x4096x128xf32>
      tpu.vector_store %arg6[%swap3A_103, %swap3A_104, %swap3A_105], %swap3A_108 {strides = array<i32>} : memref<1x4096x128xf32, #tpu.memory_space<vmem>>, vector<1x4096x128xf32>,
      %iota3A_109 = tpu.iota {dimensions = array<i32: 1>} : vector<1x4096xi32>
      %swap3A_110 = arith.constant 0 : index
      %swap3A_111 = arith.constant 0 : index
      %swap3A_112 = vector.load %arg7[%swap3A_110, %swap3A_111] : memref<1x4096xi32, #tpu.memory_space<vmem>>, vector<1x4096xi32>
      tpu.vector_store %arg7[%swap3A_110, %swap3A_111], %iota3A_109 {strides = array<i32>} : memref<1x4096xi32, #tpu.memory_space<vmem>>, vector<1x4096xi32>,
      %swap3A_113 = arith.constant 0 : index
      %swap3A_114 = arith.constant 0 : index
      %swap3A_115 = vector.load %arg8[%swap3A_113, %swap3A_114] : memref<1x4096xi32, #tpu.memory_space<vmem>>, vector<1x4096xi32>
      tpu.vector_store %arg8[%swap3A_113, %swap3A_114], %iota3A_109 {strides = array<i32>} : memref<1x4096xi32, #tpu.memory_space<vmem>>, vector<1x4096xi32>,
    } else {
    }
    %eq3A_56 = arith.constant 31 : i32
    %eq3A_57 = arith.cmpi eq, %add3A, %eq3A_56 : i32
    %convert_element_type3A_58 = arith.extui %eq3A_57 : i1 to i32
    %cond3A_59 = arith.constant 0 : i32
    %cond3A_60 = arith.cmpi ne, %convert_element_type3A_58, %cond3A_59 : i32
    scf.if %cond3A_60 {
      %mul3A_61 = arith.constant 256 : i32
      %mul3A_62 = arith.muli %arg1, %mul3A_61 : i32
      %dma_wait3A = arith.constant 0 : i32
      %dma_wait3A_63 = arith.constant 0 : i32
      %dma_wait3A_64 = tpu.memref_slice %arg10[%dma_wait3A_63] : memref<4x!tpu.dma_semaphore, #tpu.memory_space<semaphore_mem>> -> memref<1x!tpu.dma_semaphore, #tpu.memory_space<semaphore_mem>>
      %dma_wait3A_65 = tpu.memref_squeeze %dma_wait3A_64 : memref<1x!tpu.dma_semaphore, #tpu.memory_space<semaphore_mem>> -> memref<!tpu.dma_semaphore, #tpu.memory_space<semaphore_mem>>
      %dma_wait3A_66 = arith.constant 0 : i32
      %dma_wait3A_67 = tpu.memref_slice %arg4[%arg0, %mul3A_62, %dma_wait3A_66] : memref<2x4096x4096xf32, #tpu.memory_space<any>> -> memref<1x256x4096xf32, #tpu.memory_space<any>>
      %dma_wait3A_68 = tpu.memref_squeeze %dma_wait3A_67 : memref<1x256x4096xf32, #tpu.memory_space<any>> -> memref<256x4096xf32, #tpu.memory_space<any>>
      %dma_wait3A_69 = arith.constant 0 : i32
      %dma_wait3A_70 = arith.constant 0 : i32
      %dma_wait3A_71 = tpu.memref_slice %arg9[%dma_wait3A, %dma_wait3A_69, %dma_wait3A_70] : memref<4x256x4096xf32, #tpu.memory_space<vmem>> -> memref<1x256x4096xf32, #tpu.memory_space<vmem>>
      %dma_wait3A_72 = tpu.memref_squeeze %dma_wait3A_71 : memref<1x256x4096xf32, #tpu.memory_space<vmem>> -> memref<256x4096xf32, #tpu.memory_space<vmem>>
      tpu.wait_dma2 semaphore(%dma_wait3A_65 : memref<!tpu.dma_semaphore, #tpu.memory_space<semaphore_mem>>) src(%dma_wait3A_72 : memref<256x4096xf32, #tpu.memory_space<vmem>>) dst(%dma_wait3A_68 : memref<256x4096xf32, #tpu.memory_space<any>>)
      %mul3A_73 = arith.constant 256 : i32
      %mul3A_74 = arith.muli %arg1, %mul3A_73 : i32
      %dma_wait3A_75 = arith.constant 1 : i32
      %dma_wait3A_76 = arith.constant 1 : i32
      %dma_wait3A_77 = tpu.memref_slice %arg10[%dma_wait3A_76] : memref<4x!tpu.dma_semaphore, #tpu.memory_space<semaphore_mem>> -> memref<1x!tpu.dma_semaphore, #tpu.memory_space<semaphore_mem>>
      %dma_wait3A_78 = tpu.memref_squeeze %dma_wait3A_77 : memref<1x!tpu.dma_semaphore, #tpu.memory_space<semaphore_mem>> -> memref<!tpu.dma_semaphore, #tpu.memory_space<semaphore_mem>>
      %dma_wait3A_79 = arith.constant 0 : i32
      %dma_wait3A_80 = tpu.memref_slice %arg4[%arg0, %mul3A_74, %dma_wait3A_79] : memref<2x4096x4096xf32, #tpu.memory_space<any>> -> memref<1x256x4096xf32, #tpu.memory_space<any>>
      %dma_wait3A_81 = tpu.memref_squeeze %dma_wait3A_80 : memref<1x256x4096xf32, #tpu.memory_space<any>> -> memref<256x4096xf32, #tpu.memory_space<any>>
      %dma_wait3A_82 = arith.constant 0 : i32
      %dma_wait3A_83 = arith.constant 0 : i32
      %dma_wait3A_84 = tpu.memref_slice %arg9[%dma_wait3A_75, %dma_wait3A_82, %dma_wait3A_83] : memref<4x256x4096xf32, #tpu.memory_space<vmem>> -> memref<1x256x4096xf32, #tpu.memory_space<vmem>>
      %dma_wait3A_85 = tpu.memref_squeeze %dma_wait3A_84 : memref<1x256x4096xf32, #tpu.memory_space<vmem>> -> memref<256x4096xf32, #tpu.memory_space<vmem>>
      tpu.wait_dma2 semaphore(%dma_wait3A_78 : memref<!tpu.dma_semaphore, #tpu.memory_space<semaphore_mem>>) src(%dma_wait3A_85 : memref<256x4096xf32, #tpu.memory_space<vmem>>) dst(%dma_wait3A_81 : memref<256x4096xf32, #tpu.memory_space<any>>)
      %mul3A_86 = arith.constant 256 : i32
      %mul3A_87 = arith.muli %arg1, %mul3A_86 : i32
      %dma_wait3A_88 = arith.constant 2 : i32
      %dma_wait3A_89 = arith.constant 2 : i32
      %dma_wait3A_90 = tpu.memref_slice %arg10[%dma_wait3A_89] : memref<4x!tpu.dma_semaphore, #tpu.memory_space<semaphore_mem>> -> memref<1x!tpu.dma_semaphore, #tpu.memory_space<semaphore_mem>>
      %dma_wait3A_91 = tpu.memref_squeeze %dma_wait3A_90 : memref<1x!tpu.dma_semaphore, #tpu.memory_space<semaphore_mem>> -> memref<!tpu.dma_semaphore, #tpu.memory_space<semaphore_mem>>
      %dma_wait3A_92 = arith.constant 0 : i32
      %dma_wait3A_93 = tpu.memref_slice %arg4[%arg0, %mul3A_87, %dma_wait3A_92] : memref<2x4096x4096xf32, #tpu.memory_space<any>> -> memref<1x256x4096xf32, #tpu.memory_space<any>>
      %dma_wait3A_94 = tpu.memref_squeeze %dma_wait3A_93 : memref<1x256x4096xf32, #tpu.memory_space<any>> -> memref<256x4096xf32, #tpu.memory_space<any>>
      %dma_wait3A_95 = arith.constant 0 : i32
      %dma_wait3A_96 = arith.constant 0 : i32
      %dma_wait3A_97 = tpu.memref_slice %arg9[%dma_wait3A_88, %dma_wait3A_95, %dma_wait3A_96] : memref<4x256x4096xf32, #tpu.memory_space<vmem>> -> memref<1x256x4096xf32, #tpu.memory_space<vmem>>
      %dma_wait3A_98 = tpu.memref_squeeze %dma_wait3A_97 : memref<1x256x4096xf32, #tpu.memory_space<vmem>> -> memref<256x4096xf32, #tpu.memory_space<vmem>>
      tpu.wait_dma2 semaphore(%dma_wait3A_91 : memref<!tpu.dma_semaphore, #tpu.memory_space<semaphore_mem>>) src(%dma_wait3A_98 : memref<256x4096xf32, #tpu.memory_space<vmem>>) dst(%dma_wait3A_94 : memref<256x4096xf32, #tpu.memory_space<any>>)
      %mul3A_99 = arith.constant 256 : i32
      %mul3A_100 = arith.muli %arg1, %mul3A_99 : i32
      %dma_wait3A_101 = arith.constant 3 : i32
      %dma_wait3A_102 = arith.constant 3 : i32
      %dma_wait3A_103 = tpu.memref_slice %arg10[%dma_wait3A_102] : memref<4x!tpu.dma_semaphore, #tpu.memory_space<semaphore_mem>> -> memref<1x!tpu.dma_semaphore, #tpu.memory_space<semaphore_mem>>
      %dma_wait3A_104 = tpu.memref_squeeze %dma_wait3A_103 : memref<1x!tpu.dma_semaphore, #tpu.memory_space<semaphore_mem>> -> memref<!tpu.dma_semaphore, #tpu.memory_space<semaphore_mem>>
      %dma_wait3A_105 = arith.constant 0 : i32
      %dma_wait3A_106 = tpu.memref_slice %arg4[%arg0, %mul3A_100, %dma_wait3A_105] : memref<2x4096x4096xf32, #tpu.memory_space<any>> -> memref<1x256x4096xf32, #tpu.memory_space<any>>
      %dma_wait3A_107 = tpu.memref_squeeze %dma_wait3A_106 : memref<1x256x4096xf32, #tpu.memory_space<any>> -> memref<256x4096xf32, #tpu.memory_space<any>>
      %dma_wait3A_108 = arith.constant 0 : i32
      %dma_wait3A_109 = arith.constant 0 : i32
      %dma_wait3A_110 = tpu.memref_slice %arg9[%dma_wait3A_101, %dma_wait3A_108, %dma_wait3A_109] : memref<4x256x4096xf32, #tpu.memory_space<vmem>> -> memref<1x256x4096xf32, #tpu.memory_space<vmem>>
      %dma_wait3A_111 = tpu.memref_squeeze %dma_wait3A_110 : memref<1x256x4096xf32, #tpu.memory_space<vmem>> -> memref<256x4096xf32, #tpu.memory_space<vmem>>
      tpu.wait_dma2 semaphore(%dma_wait3A_104 : memref<!tpu.dma_semaphore, #tpu.memory_space<semaphore_mem>>) src(%dma_wait3A_111 : memref<256x4096xf32, #tpu.memory_space<vmem>>) dst(%dma_wait3A_107 : memref<256x4096xf32, #tpu.memory_space<any>>)
    } else {
    }
    return
  }
  func.func @transform_0(%arg0: i32, %arg1: i32) -> (i32, i32) {
    %c0_i32 = arith.constant 0 : i32
    %c0_i32_0 = arith.constant 0 : i32
    %c0_i32_1 = arith.constant 0 : i32
    return %c0_i32, %c0_i32_0 : i32, i32
  }
  func.func @transform_1(%arg0: i32, %arg1: i32) -> (i32, i32) {
    %c0_i32 = arith.constant 0 : i32
    %c0_i32_0 = arith.constant 0 : i32
    %c0_i32_1 = arith.constant 0 : i32
    return %c0_i32, %c0_i32_0 : i32, i32
  }
  func.func @transform_3(%arg0: i32, %arg1: i32) -> (i32, i32, i32) {
    %c0_i32 = arith.constant 0 : i32
    %c0_i32_0 = arith.constant 0 : i32
    %c0_i32_1 = arith.constant 0 : i32
    %c0_i32_2 = arith.constant 0 : i32
    return %c0_i32, %c0_i32_0, %c0_i32_1 : i32, i32, i32
  }
  func.func @transform_4(%arg0: i32, %arg1: i32) -> (i32, i32, i32) {
    %c0_i32 = arith.constant 0 : i32
    %c0_i32_0 = arith.constant 0 : i32
    %c0_i32_1 = arith.constant 0 : i32
    %c0_i32_2 = arith.constant 0 : i32
    return %c0_i32, %c0_i32_0, %c0_i32_1 : i32, i32, i32
  }
  func.func @transform_5(%arg0: i32, %arg1: i32) -> (i32, i32) {
    %c0_i32 = arith.constant 0 : i32
    %c0_i32_0 = arith.constant 0 : i32
    %c0_i32_1 = arith.constant 0 : i32
    return %c0_i32, %c0_i32_0 : i32, i32
  }
  func.func @transform_6(%arg0: i32, %arg1: i32) -> (i32, i32) {
    %c0_i32 = arith.constant 0 : i32
    %c0_i32_0 = arith.constant 0 : i32
    %c0_i32_1 = arith.constant 0 : i32
    return %c0_i32, %c0_i32_0 : i32, i32
  }
}

</mosaic_0001>

<sc_bundles>
// kernel: kernel.4.cloned.1.call-start
scs
__scs_entry_jumppad:
0x0: {  	(pc) =	sbr.rel $0x88, $3  }
0x1: {  	(tag) =	ssettag $0x0;
	lr =	simm.s32 $0x1  }
0x2: {  	[smem:$0x3F9D] =	sst lr;
	_ =	strace $0xD0000000  }
0x3: {  	_ = 	snop  }
0x4: {  	_ = 	snop  }
0x5: {  	_ = 	snop  }
0x6: {  	_ = 	snop  }
0x7: {  	_ = 	snop  }
__scs_overlays_trampoline_lowered:
0x8: {  	[smem:$0x3FAC] =	sst s0  }
0x9: {  	[smem:$0x3FAD] =	sst s1  }
0xa: {  	[smem:$0x3FAE] =	sst s2  }
0xb: {  	[smem:$0x3FAF] =	sst s3  }
0xc: {  	[smem:$0x3FB0] =	sst s4  }
0xd: {  	[smem:$0x3FB1] =	sst s5  }
0xe: {  	[smem:$0x3FB2] =	sst s6  }
0xf: {  	[smem:$0x3FB3] =	sst s7  }
0x10: {  	[smem:$0x3FB4] =	sst s8  }
0x11: {  	[smem:$0x3FB5] =	sst s9;
	s0 =	simm.s32 @!p0 $0x0  }
0x12: {  	s1 =	sld [smem:$0x3F9B];
	s0 =	simm.s32 @p0 $0x1  }
0x13: {  	[smem:$0x3FB6] =	sst s0;
	s0 =	simm.s32 @!p1 $0x0  }
0x14: {  	s2 =	sld [smem:$0x3F9A];
	s0 =	simm.s32 @p1 $0x1  }
0x15: {  	[smem:$0x3FB7] =	sst s0;
	s0 =	simm.s32 @!p2 $0x0  }
0x16: {  	s3 =	sld [smem:$0x3FDB];
	s0 =	simm.s32 @p2 $0x1  }
0x17: {  	s4 =	simm.s32 $0x1BF5;
	[smem:$0x3FB9] =	sst s0  }
0x18: {  	s0 =	sld [smem:$0x3F9C];
	_ =	swait.ge [sflag:s4], $0x0  }
0x19: {  	s7 =	sld [smem:$0x3F9D]  }
0x1a: {  	s8 =	sadd.s32 $0xFFFFE003, lr  }
0x1b: {  	s9 =	sadd.s32 $0xFFFFFEF7, lr;
	s5 =	simm.s32 $0xFFFFFFFF;
	p2 =	slt.u32 s8, $0xFFFFF086  }
0x1c: {  	p1 =	slt.u32 s9, $0xF7A;
	s5 =	simm.s32 @!p2 $0x0  }
0x1d: {  	s5 =	simm.s32 @p1 $0x1;
	p0 =	seq.s32 s7, s2  }
0x1e: {  	s7 =	smul.u32 @!p0 $0xF7A, s2;
	p2 =	seq.s32 @!p0 s5, $0x0  }
0x1f: {  	s9 =	smul.u32 $0xF7A, s1;
	s8 =	simm.s32 @!p0 $0x1BF5;
	p2 =	por !p2, p0  }
0x20: {  	[sflag:s8] =	ssyncset.s32 @!p0 $0xFFFFF086;
	s6 =	sadd.s32 @!p0 s3, s7;
	s7 =	simm.s32 @!p0 $0x108  }
0x21: {  	s3 =	sadd.s32 s3, s9;
	s6 =	sadd.s32 @!p0 $0x88, s6;
	s7 =	simm.s32 @p2 $0x1082  }
0x22: {  	[simem:s7], [sflag:s8] =	dma.local @!p0 [hbm:s6], $0xF7A  }
0x23: {  	s9 =	sor.u32 $0xD0000000, s2;
	s6 =	simm.s32 $0x108;
	_ =	swait.ge @!p0 [sflag:s8], $0x0  }
0x24: {  	s3 =	sadd.s32 $0x88, s3;
	s6 =	simm.s32 @!p1 $0x1082;
	[sflag:s4] =	ssyncset.s32 $0xFFFFF086  }
0x25: {  	[simem:s6], [sflag:s4] =	dma.local [hbm:s3], $0xF7A  }
0x26: {  	[smem:$0x3F9D] =	sst s1;
	(tag) =	ssettag s2;
	_ =	strace s9  }
0x27: {  	s1 =	sld [smem:$0x3FAD]  }
0x28: {  	s2 =	sld [smem:$0x3FAE]  }
0x29: {  	s4 =	sld [smem:$0x3FB0]  }
0x2a: {  	p0 =	seq.s32 s5, $0x0;
	s5 =	sld [smem:$0x3FB1]  }
0x2b: {  	s6 =	sld [smem:$0x3FB2]  }
0x2c: {  	s7 =	sld [smem:$0x3FB3]  }
0x2d: {  	s3 =	simm.s32 $0x108;
	s8 =	sld [smem:$0x3FB4]  }
0x2e: {  	s3 =	simm.s32 @!p0 $0x1082;
	s9 =	sld [smem:$0x3FB5]  }
0x2f: {  	lr =	sadd.s32 s0, s3;
	s0 =	sld [smem:$0x3FAC]  }
0x30: {  	s3 =	sld [smem:$0x3FAF]  }
0x31: {  	[smem:$0x3FB8] =	sst s10  }
0x32: {  	s10 =	sld [smem:$0x3FB6];
	_ =	sdelay $0x3  }
0x33: {  	p0 =	seq.s32 s10, $0x1;
	s10 =	sld [smem:$0x3FB8];
	_ =	sdelay $0x3  }
0x34: {  	[smem:$0x3FB8] =	sst s10  }
0x35: {  	s10 =	sld [smem:$0x3FB7];
	_ =	sdelay $0x3  }
0x36: {  	p1 =	seq.s32 s10, $0x1;
	s10 =	sld [smem:$0x3FB8];
	_ =	sdelay $0x3  }
0x37: {  	[smem:$0x3FB8] =	sst s10  }
0x38: {  	s10 =	sld [smem:$0x3FB9]  }
0x39: {  	_ = 	snop;
	(pc) =	sbr.ind lr, $3  }
0x3a: {  	_ = 	snop  }
0x3b: {  	_ = 	snop  }
0x3c: {  	p2 =	seq.s32 s10, $0x1;
	s10 =	sld [smem:$0x3FB8]  }
0x3d: {  	_ =	shalt  }
0x3e: {  	_ =	shalt  }
0x3f: {  	_ =	shalt  }
0x40: {  	_ =	shalt  }
0x41: {  	_ =	shalt  }
0x42: {  	_ =	shalt  }
0x43: {  	_ =	shalt  }
0x44: {  	_ =	shalt  }
0x45: {  	_ =	shalt  }
0x46: {  	_ =	shalt  }
0x47: {  	_ =	shalt  }
0x48: {  	_ =	shalt  }
0x49: {  	_ =	shalt  }
0x4a: {  	_ =	shalt  }
0x4b: {  	_ =	shalt  }
0x4c: {  	_ =	shalt  }
0x4d: {  	_ =	shalt  }
0x4e: {  	_ =	shalt  }
0x4f: {  	_ =	shalt  }
0x50: {  	_ =	shalt  }
0x51: {  	_ =	shalt  }
0x52: {  	_ =	shalt  }
0x53: {  	_ =	shalt  }
0x54: {  	_ =	shalt  }
0x55: {  	_ =	shalt  }
0x56: {  	_ =	shalt  }
0x57: {  	_ =	shalt  }
0x58: {  	_ =	shalt  }
0x59: {  	_ =	shalt  }
0x5a: {  	_ =	shalt  }
0x5b: {  	_ =	shalt  }
0x5c: {  	_ =	shalt  }
0x5d: {  	_ =	shalt  }
0x5e: {  	_ =	shalt  }
0x5f: {  	_ =	shalt  }
0x60: {  	_ =	shalt  }
0x61: {  	_ =	shalt  }
0x62: {  	_ =	shalt  }
0x63: {  	_ =	shalt  }
0x64: {  	_ =	shalt  }
0x65: {  	_ =	shalt  }
0x66: {  	_ =	shalt  }
0x67: {  	_ =	shalt  }
0x68: {  	_ =	shalt  }
0x69: {  	_ =	shalt  }
0x6a: {  	_ =	shalt  }
0x6b: {  	_ =	shalt  }
0x6c: {  	_ =	shalt  }
0x6d: {  	_ =	shalt  }
0x6e: {  	_ =	shalt  }
0x6f: {  	_ =	shalt  }
0x70: {  	_ =	shalt  }
0x71: {  	_ =	shalt  }
0x72: {  	_ =	shalt  }
0x73: {  	_ =	shalt  }
0x74: {  	_ =	shalt  }
0x75: {  	_ =	shalt  }
0x76: {  	_ =	shalt  }
0x77: {  	_ =	shalt  }
0x78: {  	_ =	shalt  }
0x79: {  	_ =	shalt  }
0x7a: {  	_ =	shalt  }
0x7b: {  	_ =	shalt  }
0x7c: {  	_ =	shalt  }
0x7d: {  	_ =	shalt  }
0x7e: {  	_ =	shalt  }
0x7f: {  	_ =	shalt  }
0x80: {  	_ =	shalt  }
0x81: {  	_ =	shalt  }
0x82: {  	_ =	shalt  }
0x83: {  	_ =	shalt  }
0x84: {  	_ =	shalt  }
0x85: {  	_ =	shalt  }
0x86: {  	_ =	shalt  }
0x87: {  	_ =	shalt  }
.Lfunc_end0:
.L_simem_size_0:
called_computation_lowered:
.L_overlay_start_0:
0x88: {  	s2 =	sld [smem:$0x3FD9]  }
0x89: {  	s3 =	sld [smem:$0x3FFE];
	_ =	sdelay $0x1  }
0x8a: {  	s1 =	srdreg.scid  }
0x8b: {  	s0 =	sand.u32 $0x1, s1  }
0x8c: {  	s15 =	sshll.u32 s0, $0xA;
	s2 =	sadd.s32 s3, s2  }
0x8d: {  	s2 =	sadd.s32 s2, s15  }
0x8e: {  	[smem:$0x3FC4] =	sst s2  }
0x8f: {  	_ = 	snop  }
0x90: {  	s2 =	sld [smem:$0x3FD0];
	_ =	sdelay $0x1  }
0x91: {  	s16 =	sld [smem:$0x3FC9]  }
0x92: {  	s5 =	simm.s32 $0xA;
	s6 =	simm.s32 $0x10;
	s4 =	sld [smem:$0x3FC7]  }
0x93: {  	[smem:s6], [sflag:s5] =	dma.local [hbm:s2], $0x1  }
0x94: {  	_ =	swait.eq [sflag:s5], $0x1  }
0x95: {  	[sflag:s5] =	ssyncset.done $0x0  }
0x96: {  	[sflag:s5] =	ssyncadd.s32 $0xFFFFFFFF  }
0x97: {  	s17 =	sld [smem:$0x10];
	(tm) =	ssettm $0x1  }
0x98: {  	s18 =	sld [smem:$0x3FFB];
	_ =	sdelay $0x3  }
0x99: {  	_ =	strace s18  }
0x9a: {  	s5 =	sld [smem:$0x3FFC];
	_ =	sdelay $0x3  }
0x9b: {  	_ =	strace s5  }
0x9c: {  	s5 =	sld [smem:$0x3FFD];
	_ =	sdelay $0x3  }
0x9d: {  	_ =	strace s5  }
0x9e: {  	_ =	strace $0x8FFFFFFF  }
0x9f: {  	s19 =	sld [smem:$0x3FDB];
	_ =	sdelay $0x1  }
0xa0: {  	s20 =	simm.s32 $_scs_section_size  }
0xa1: {  	s7 =	simm.s32 $_size__tile_overlayer_lowered;
	s8 =	simm.s32 $_tile_overlayer_lowered  }
0xa2: {  	s23 =	simm.s32 $0x1BFF;
	s22 =	sshll.u32 s8, $0x1;
	s5 =	sadd.s32 s20, s19  }
0xa3: {  	s9 =	simm.s32 $0x0;
	s21 =	sshll.u32 s7, $0x1;
	s7 =	sadd.s32 s22, s5  }
0xa4: {  	[timem:s9], [sflag:s23] =	dma.local [hbm:s7], s21  }
0xa5: {  	_ =	swait.ge [sflag:s23], s21  }
0xa6: {  	s6 =	ssub.s32 $0x0, s21;
	[sflag:s23] =	ssyncset.done $0x0  }
0xa7: {  	[sflag:s23] =	ssyncadd.s32 s6;
	_ =	sdelay $0x1  }
0xa8: {  	s24 =	simm.s32 $0x1B8B  }
0xa9: {  	_ =	swait.ge [sflag:s24], $0x1  }
0xaa: {  	[sflag:s24] =	ssyncset.done $0x0  }
0xab: {  	s25 =	simm.s32 $0x1B8E;
	[sflag:s24] =	ssyncadd.s32 $0xFFFFFFFF  }
0xac: {  	s26 =	simm.s32 $execute0_lowered;
	[smem:$0x3FD2] =	sst s25  }
0xad: {  	s6 =	sshll.u32 s26, $0x1;
	_ =	strace $0x80000046;
	[dreg:$0x1] =	wrdreg $0xFFFFFFFF  }
0xae: {  	s28 =	simm.s32 $_size_execute0_lowered;
	s5 =	sadd.s32 s5, s6;
	[dreg:$0x0] =	wrdreg $0x0  }
0xaf: {  	s6 =	sshll.u32 s28, $0x1;
	[dreg:$0x2] =	wrdreg s5  }
0xb0: {  	[dreg:$0x3] =	wrdreg s6  }
0xb1: {  	[dreg:$0x4] =	wrdreg $0xC0  }
0xb2: {  	_ =	task [dreg:s9], $0x5FFFF  }
0xb3: {  	[dreg:$0x1] =	wrdreg $0xFFFFFFFF  }
0xb4: {  	[dreg:$0x0] =	wrdreg $0x60  }
0xb5: {  	[dreg:$0x2] =	wrdreg s16  }
0xb6: {  	[dreg:$0x3] =	wrdreg s4  }
0xb7: {  	[dreg:$0x4] =	wrdreg s17  }
0xb8: {  	[dreg:$0x5] =	wrdreg $0x9  }
0xb9: {  	_ =	task.clear_ibuf [dreg:s9], $0x6FFFF;
	_ =	strace $0x90000046  }
0xba: {  	s29 =	simm.s32 $0x9;
	_ =	strace $0x80000048  }
0xbb: {  	_ =	swait.ge [sflag:s29], $0x1  }
0xbc: {  	[sflag:s29] =	ssyncadd.s32 $0xFFFFFFFF  }
0xbd: {  	_ =	strace $0x90000048  }
0xbe: {  	_ =	sfence  }
0xbf: {  	s30 =	sld [smem:$0x0];
	_ =	sdelay $0x2  }
0xc0: {  	s31 =	sshll.u32 s1, $0xD;
	s1 =	sshrl.u32 s1, $0x2  }
0xc1: {  	s3 =	sand.u32 $0x4000, s31;
	s1 =	sadd.s32 s1, s30  }
0xc2: {  	s0 =	sor.u32 s3, s0;
	s1 =	sshll.u32 s1, $0x11  }
0xc3: {  	s0 =	sor.u32 s1, s0  }
0xc4: {  	s0 =	sadd.s32 $0x8F2B, s0  }
0xc5: {  	[sflag:s0] =	ssyncadd.remote.s32 $0x1  }
0xc6: {  	_ =	sfence.sel $0xFFFF  }
0xc7: {  	[dreg:$0x0] =	wrdreg $0xFFFFFFFF;
	(pc) =	sbr.abs _section_cstart, $3  }
0xc8: {  	[dreg:$0x1] =	wrdreg $0xFFFFFFFF  }
0xc9: {  	_ =	task.clear_ibuf [dreg:s9], $0x2FFFF;
	_ =	strace $0x9FFFFFFF  }
0xca: {  	(tm) =	ssettm $0x7FFFFFFF  }
0xcb: {  	_ =	shalt  }
tec
execute0_lowered:
.L_overlay_start_1:
0x0: {  	(tag) =	ssettag $0x1  }
0x1: {  	s3 =	stileid.u32;
	s6 =	rddreg [dreg:$0x0]  }
0x2: {  	s0 =	srdreg.scid;
	s2 =	rddreg [dreg:$0x1]  }
0x3: {  	s28 =	simm.s32 $0x200;
	s31 =	simm.s32 $0x17200;
	s1 =	sshll.u32 s3, $0x1  }
0x4: {  	s5 =	sand.u32 $0x1, s0;
	s7 =	sshrl.u32 s3, $0x3;
	s0 =	rddreg [dreg:$0x2]  }
0x5: {  	s3 =	simm.s32 $0x0;
	s23 =	sadd.s32 $0x4, s6;
	s12 =	sadd.s32 $0x8, s6  }
0x6: {  	s20 =	sand.u32 $0xE, s1;
	s4 =	sshll.u32 s7, $0x7;
	[smem:$0x7FF] =	sst s3  }
0x7: {  	s7 =	sshll.u32 s7, $0x16;
	s8 =	sor.u32 s5, s20;
	s5 =	ssub.s32 $0x2, s5  }
0x8: {  	_ =	strace $0x80000047;
	s21 =	sshll.u32 s8, $0x9;
	s22 =	sshrl.u32 s5, $0x1  }
0x9: {  	s24 =	sshll.u32 s8, $0x12;
	s8 =	sshll.u32 s8, $0x8;
	s1 =	sor.u32 s4, s21  }
0xa: {  	s13 =	sor.u32 $0x80, s8;
	s15 =	sor.u32 $0xA0, s8;
	s18 =	sor.u32 $0xC0, s8  }
0xb: {  	s8 =	sor.u32 $0xE0, s8;
	s9 =	sshrl.u32 s1, $0x3;
	s1 =	ssub.s32 s5, s22  }
0xc: {  	s5 =	sor.u32 s7, s24;
	s14 =	sshll.u32 s13, $0x1;
	s30 =	sshll.u32 s15, $0x1  }
0xd: {  	s17 =	sshll.u32 s13, $0xA;
	s19 =	sshll.u32 s18, $0x1;
	s24 =	sshll.u32 s8, $0x1  }
0xe: {  	s8 =	sshll.u32 s8, $0xA;
	s13 =	simm.s32 $0x12A00;
	s10 =	sadd.s32 s6, s9  }
0xf: {  	s11 =	sadd.s32 s9, s23;
	s5 =	sshrl.u32 s5, $0x3;
	s25 =	sadd.s32 s9, s12  }
0x10: {  	s26 =	sor.u32 s4, s14;
	s21 =	sand.u32 $0x1F00, s19;
	[dreg:$0x4] =	wrdreg s10  }
0x11: {  	s19 =	simm.s32 $0x15A00;
	[dreg:$0x5] =	wrdreg s11;
	s16 =	sadd.s32 s0, s5  }
0x12: {  	[dreg:$0x6] =	wrdreg s25;
	s11 =	sadd.s32 $0xC, s6;
	s22 =	sor.u32 s4, s21  }
0x13: {  	s10 =	simm.s32 $0x10200;
	s5 =	sadd.s32 $0x1000, s16;
	[dreg:$0x13] =	wrdreg s16  }
0x14: {  	s21 =	simm.s32 $0x16200;
	s9 =	sadd.s32 s9, s11;
	[dreg:$0x7] =	wrdreg s5  }
0x15: {  	s29 =	sadd.s32 $0x2000, s16;
	s14 =	sadd.s32 $0x3000, s16;
	[dreg:$0x8] =	wrdreg s9  }
0x16: {  	s5 =	sadd.s32 $0x100, s2;
	s9 =	sshrl.u32 s26, $0x3;
	[dreg:$0x9] =	wrdreg s29  }
0x17: {  	[dreg:$0xb] =	wrdreg s14;
	s26 =	sand.u32 $0x1F00, s24;
	s29 =	sshll.u32 s18, $0xA  }
0x18: {  	s14 =	simm.s32 $0x13200;
	s18 =	simm.s32 $0x15200;
	s6 =	sadd.s32 s6, s9  }
0x19: {  	s24 =	simm.s32 $0x16A00;
	s9 =	sand.u32 $0x1F00, s30;
	[dreg:$0xa] =	wrdreg s6  }
0x1a: {  	s16 =	sor.u32 s4, s9;
	s9 =	sor.u32 s7, s17;
	s4 =	sor.u32 s4, s26  }
0x1b: {  	s17 =	simm.s32 $0x14A00;
	s26 =	simm.s32 $0x17A00;
	s6 =	sshrl.u32 s16, $0x3  }
0x1c: {  	s9 =	sshrl.u32 s9, $0x3;
	s4 =	sshrl.u32 s4, $0x3;
	s16 =	simm.s32 $0x14200  }
0x1d: {  	s6 =	sadd.s32 s6, s23;
	s20 =	sadd.s32 s0, s9;
	s23 =	sshll.u32 s15, $0xA  }
0x1e: {  	s4 =	sadd.s32 s4, s11;
	s15 =	simm.s32 $0x13A00;
	[dreg:$0xc] =	wrdreg s6  }
0x1f: {  	[dreg:$0xd] =	wrdreg s20;
	s6 =	sshrl.u32 s22, $0x3;
	s9 =	sor.u32 s7, s23  }
0x20: {  	[dreg:$0x10] =	wrdreg s4;
	s20 =	simm.s32 $0x1;
	s22 =	simm.s32 $0x2  }
0x21: {  	s23 =	simm.s32 $0x4;
	s4 =	simm.s32 $0x8200;
	s6 =	sadd.s32 s6, s12  }
0x22: {  	s9 =	sshrl.u32 s9, $0x3;
	s12 =	simm.s32 $0x12200;
	[dreg:$0xe] =	wrdreg s6  }
0x23: {  	s25 =	sadd.s32 s0, s9;
	s6 =	sor.u32 s7, s29;
	s7 =	sor.u32 s7, s8  }
0x24: {  	s8 =	smax.u32 s1, $0x1;
	s9 =	simm.s32 $0x7;
	s6 =	sshrl.u32 s6, $0x3  }
0x25: {  	v2 =	vlaneseq.u32;
	[dreg:$0xf] =	wrdreg s25;
	s7 =	sshrl.u32 s7, $0x3;
	s30 =	sadd.s32 s0, s6  }
0x26: {  	vm0 =	vmmov $0xffff;
	v1 =	vshrl.u32 v2, $0x3;
	s25 =	simm.s32 $0x5;
	s0 =	sadd.s32 s0, s7;
	[dreg:$0x11] =	wrdreg s30  }
0x27: {  	v0 =	vand.u32 $0x7, v2;
	v2 =	vor.u32 $0x8, v2;
	v1 =	vmul.u32 $0x8, v1;
	s6 =	sadd.s32 $0x200, s2;
	s7 =	sadd.s32 $0x300, s2;
	[dreg:$0x12] =	wrdreg s0  }
.LBB2_1:
0x28: {  	s29 =	rddreg [dreg:$0x4]  }
0x29: {  	[tilespmem:s3], [sflag:$0x7] =	stream.linear.gather [hbm4b:s29+s3], $0x20, $0x38;
	[tilespmem:$0x18200] =	vst v63  }
0x2a: {  	_ =	swait.ge [sflag:s9], $0x20  }
0x2b: {  	[sflag:s9] =	ssyncset.done $0x0  }
0x2c: {  	[sflag:s9] =	ssyncadd.s32 $0xFFFFFFE0  }
0x2d: {  	v3 =	vld [tilespmem:$0x0];
	_ =	sdelay $0x4  }
0x2e: {  	v4 =	vshll.u32 v3, $0x3  }
0x2f: {  	v3 =	vand.u32 $0x7, v3;
	v4 =	vand.u32 $0xFFFFFFC0, v4  }
0x30: {  	v3 =	vor.u32 v3, v4  }
0x31: {  	v4 =	vperm.xlane v3, v0;
	_ =	sdelay $0x1  }
0x32: {  	v4 =	vadd.s32 v1, v4;
	_ =	sdelay $0x4  }
0x33: {  	[tilespmem:s28], [sflag:$0x1] =	stream.indirect_vreg.gather [hbm4b:s2+s3], $0x80, v4, vm0, $0xb8;
	[tilespmem:$0x18200] =	vst v63  }
0x34: {  	s0 =	simm.s32 $0xA00;
	v3 =	vperm.xlane v3, v2  }
0x35: {  	[tilespmem:s0], [sflag:$0x1] =	stream.indirect_vreg.gather [hbm4b:s5+s3], $0x80, v4, vm0, $0xb8;
	[tilespmem:$0x18200] =	vst v63  }
0x36: {  	s1 =	simm.s32 $0x1200;
	v3 =	vadd.s32 v1, v3  }
0x37: {  	[tilespmem:s1], [sflag:$0x1] =	stream.indirect_vreg.gather [hbm4b:s6+s3], $0x80, v4, vm0, $0xb8;
	[tilespmem:$0x18200] =	vst v63  }
0x38: {  	s11 =	simm.s32 $0x1A00  }
0x39: {  	[tilespmem:s11], [sflag:$0x1] =	stream.indirect_vreg.gather [hbm4b:s7+s3], $0x80, v4, vm0, $0xb8;
	[tilespmem:$0x18200] =	vst v63  }
0x3a: {  	s29 =	simm.s32 $0x2200  }
0x3b: {  	[tilespmem:s29], [sflag:$0x1] =	stream.indirect_vreg.gather [hbm4b:s2+s3], $0x80, v3, vm0, $0xb8;
	[tilespmem:$0x18200] =	vst v63  }
0x3c: {  	s30 =	simm.s32 $0x2A00  }
0x3d: {  	[tilespmem:s30], [sflag:$0x1] =	stream.indirect_vreg.gather [hbm4b:s5+s3], $0x80, v3, vm0, $0xb8;
	[tilespmem:$0x18200] =	vst v63  }
0x3e: {  	s1 =	simm.s32 $0x3200  }
0x3f: {  	[tilespmem:s1], [sflag:$0x1] =	stream.indirect_vreg.gather [hbm4b:s6+s3], $0x80, v3, vm0, $0xb8;
	[tilespmem:$0x18200] =	vst v63  }
0x40: {  	s11 =	simm.s32 $0x3A00  }
0x41: {  	[tilespmem:s11], [sflag:$0x1] =	stream.indirect_vreg.gather [hbm4b:s7+s3], $0x80, v3, vm0, $0xb8;
	[tilespmem:$0x18200] =	vst v63  }
0x42: {  	v3 =	vld [tilespmem:$0x10];
	_ =	sdelay $0x4  }
0x43: {  	v49 =	vshll.u32 v3, $0x3  }
0x44: {  	v3 =	vand.u32 $0x7, v3;
	v4 =	vand.u32 $0xFFFFFFC0, v49  }
0x45: {  	v3 =	vor.u32 v3, v4  }
0x46: {  	v4 =	vperm.xlane v3, v0;
	_ =	sdelay $0x1  }
0x47: {  	v4 =	vadd.s32 v1, v4;
	_ =	sdelay $0x3  }
0x48: {  	s29 =	simm.s32 $0x4200  }
0x49: {  	[tilespmem:s29], [sflag:$0x1] =	stream.indirect_vreg.gather [hbm4b:s2+s3], $0x80, v4, vm0, $0xb8;
	[tilespmem:$0x18200] =	vst v63  }
0x4a: {  	s30 =	simm.s32 $0x4A00;
	v3 =	vperm.xlane v3, v2  }
0x4b: {  	[tilespmem:s30], [sflag:$0x1] =	stream.indirect_vreg.gather [hbm4b:s5+s3], $0x80, v4, vm0, $0xb8;
	[tilespmem:$0x18200] =	vst v63  }
0x4c: {  	s1 =	simm.s32 $0x5200;
	v3 =	vadd.s32 v1, v3  }
0x4d: {  	[tilespmem:s1], [sflag:$0x1] =	stream.indirect_vreg.gather [hbm4b:s6+s3], $0x80, v4, vm0, $0xb8;
	[tilespmem:$0x18200] =	vst v63  }
0x4e: {  	s11 =	simm.s32 $0x5A00  }
0x4f: {  	[tilespmem:s11], [sflag:$0x1] =	stream.indirect_vreg.gather [hbm4b:s7+s3], $0x80, v4, vm0, $0xb8;
	[tilespmem:$0x18200] =	vst v63  }
0x50: {  	s29 =	simm.s32 $0x6200  }
0x51: {  	[tilespmem:s29], [sflag:$0x1] =	stream.indirect_vreg.gather [hbm4b:s2+s3], $0x80, v3, vm0, $0xb8;
	[tilespmem:$0x18200] =	vst v63  }
0x52: {  	s30 =	simm.s32 $0x6A00  }
0x53: {  	[tilespmem:s30], [sflag:$0x1] =	stream.indirect_vreg.gather [hbm4b:s5+s3], $0x80, v3, vm0, $0xb8;
	[tilespmem:$0x18200] =	vst v63  }
0x54: {  	s1 =	simm.s32 $0x7200  }
0x55: {  	[tilespmem:s1], [sflag:$0x1] =	stream.indirect_vreg.gather [hbm4b:s6+s3], $0x80, v3, vm0, $0xb8;
	[tilespmem:$0x18200] =	vst v63  }
0x56: {  	s11 =	simm.s32 $0x7A00  }
0x57: {  	[tilespmem:s11], [sflag:$0x1] =	stream.indirect_vreg.gather [hbm4b:s7+s3], $0x80, v3, vm0, $0xb8;
	[tilespmem:$0x18200] =	vst v63  }
0x58: {  	s29 =	rddreg [dreg:$0x5];
	s30 =	simm.s32 $0x80  }
0x59: {  	[tilespmem:s30], [sflag:$0x7] =	stream.linear.gather [hbm4b:s29+s3], $0x20, $0x38;
	[tilespmem:$0x18200] =	vst v63  }
0x5a: {  	_ =	swait.ge [sflag:s9], $0x20  }
0x5b: {  	[sflag:s9] =	ssyncset.done $0x0  }
0x5c: {  	[sflag:s9] =	ssyncadd.s32 $0xFFFFFFE0  }
0x5d: {  	v3 =	vld [tilespmem:$0x80];
	_ =	sdelay $0x4  }
0x5e: {  	v50 =	vshll.u32 v3, $0x3  }
0x5f: {  	v3 =	vand.u32 $0x7, v3;
	v4 =	vand.u32 $0xFFFFFFC0, v50  }
0x60: {  	v3 =	vor.u32 v3, v4  }
0x61: {  	v4 =	vperm.xlane v3, v0;
	_ =	sdelay $0x1  }
0x62: {  	v4 =	vadd.s32 v1, v4;
	_ =	sdelay $0x4  }
0x63: {  	[tilespmem:s4], [sflag:$0x2] =	stream.indirect_vreg.gather [hbm4b:s2+s3], $0x80, v4, vm0, $0xb8;
	[tilespmem:$0x18200] =	vst v63  }
0x64: {  	s11 =	simm.s32 $0x8A00;
	v3 =	vperm.xlane v3, v2  }
0x65: {  	[tilespmem:s11], [sflag:$0x2] =	stream.indirect_vreg.gather [hbm4b:s5+s3], $0x80, v4, vm0, $0xb8;
	[tilespmem:$0x18200] =	vst v63  }
0x66: {  	s29 =	simm.s32 $0x9200;
	v3 =	vadd.s32 v1, v3  }
0x67: {  	[tilespmem:s29], [sflag:$0x2] =	stream.indirect_vreg.gather [hbm4b:s6+s3], $0x80, v4, vm0, $0xb8;
	[tilespmem:$0x18200] =	vst v63  }
0x68: {  	s30 =	simm.s32 $0x9A00  }
0x69: {  	[tilespmem:s30], [sflag:$0x2] =	stream.indirect_vreg.gather [hbm4b:s7+s3], $0x80, v4, vm0, $0xb8;
	[tilespmem:$0x18200] =	vst v63  }
0x6a: {  	s11 =	simm.s32 $0xA200  }
0x6b: {  	[tilespmem:s11], [sflag:$0x2] =	stream.indirect_vreg.gather [hbm4b:s2+s3], $0x80, v3, vm0, $0xb8;
	[tilespmem:$0x18200] =	vst v63  }
0x6c: {  	s29 =	simm.s32 $0xAA00  }
0x6d: {  	[tilespmem:s29], [sflag:$0x2] =	stream.indirect_vreg.gather [hbm4b:s5+s3], $0x80, v3, vm0, $0xb8;
	[tilespmem:$0x18200] =	vst v63  }
0x6e: {  	s30 =	simm.s32 $0xB200  }
0x6f: {  	[tilespmem:s30], [sflag:$0x2] =	stream.indirect_vreg.gather [hbm4b:s6+s3], $0x80, v3, vm0, $0xb8;
	[tilespmem:$0x18200] =	vst v63  }
0x70: {  	s11 =	simm.s32 $0xBA00  }
0x71: {  	[tilespmem:s11], [sflag:$0x2] =	stream.indirect_vreg.gather [hbm4b:s7+s3], $0x80, v3, vm0, $0xb8;
	[tilespmem:$0x18200] =	vst v63  }
0x72: {  	v3 =	vld [tilespmem:$0x90];
	_ =	sdelay $0x4  }
0x73: {  	v51 =	vshll.u32 v3, $0x3  }
0x74: {  	v3 =	vand.u32 $0x7, v3;
	v4 =	vand.u32 $0xFFFFFFC0, v51  }
0x75: {  	v3 =	vor.u32 v3, v4  }
0x76: {  	v4 =	vperm.xlane v3, v0;
	_ =	sdelay $0x1  }
0x77: {  	v4 =	vadd.s32 v1, v4;
	_ =	sdelay $0x3  }
0x78: {  	s29 =	simm.s32 $0xC200  }
0x79: {  	[tilespmem:s29], [sflag:$0x2] =	stream.indirect_vreg.gather [hbm4b:s2+s3], $0x80, v4, vm0, $0xb8;
	[tilespmem:$0x18200] =	vst v63  }
0x7a: {  	s30 =	simm.s32 $0xCA00;
	v3 =	vperm.xlane v3, v2  }
0x7b: {  	[tilespmem:s30], [sflag:$0x2] =	stream.indirect_vreg.gather [hbm4b:s5+s3], $0x80, v4, vm0, $0xb8;
	[tilespmem:$0x18200] =	vst v63  }
0x7c: {  	s11 =	simm.s32 $0xD200;
	v3 =	vadd.s32 v1, v3  }
0x7d: {  	[tilespmem:s11], [sflag:$0x2] =	stream.indirect_vreg.gather [hbm4b:s6+s3], $0x80, v4, vm0, $0xb8;
	[tilespmem:$0x18200] =	vst v63  }
0x7e: {  	s29 =	simm.s32 $0xDA00  }
0x7f: {  	[tilespmem:s29], [sflag:$0x2] =	stream.indirect_vreg.gather [hbm4b:s7+s3], $0x80, v4, vm0, $0xb8;
	[tilespmem:$0x18200] =	vst v63  }
0x80: {  	s30 =	simm.s32 $0xE200  }
0x81: {  	[tilespmem:s30], [sflag:$0x2] =	stream.indirect_vreg.gather [hbm4b:s2+s3], $0x80, v3, vm0, $0xb8;
	[tilespmem:$0x18200] =	vst v63  }
0x82: {  	s11 =	simm.s32 $0xEA00  }
0x83: {  	[tilespmem:s11], [sflag:$0x2] =	stream.indirect_vreg.gather [hbm4b:s5+s3], $0x80, v3, vm0, $0xb8;
	[tilespmem:$0x18200] =	vst v63  }
0x84: {  	s29 =	simm.s32 $0xF200  }
0x85: {  	[tilespmem:s29], [sflag:$0x2] =	stream.indirect_vreg.gather [hbm4b:s6+s3], $0x80, v3, vm0, $0xb8;
	[tilespmem:$0x18200] =	vst v63  }
0x86: {  	s30 =	simm.s32 $0xFA00  }
0x87: {  	[tilespmem:s30], [sflag:$0x2] =	stream.indirect_vreg.gather [hbm4b:s7+s3], $0x80, v3, vm0, $0xb8;
	[tilespmem:$0x18200] =	vst v63  }
0x88: {  	_ =	swait.ge [sflag:s20], $0x8000  }
0x89: {  	[sflag:s20] =	ssyncset.done $0x0  }
0x8a: {  	s30 =	rddreg [dreg:$0x13];
	[sflag:s20] =	ssyncadd.s32 $0xFFFF8000  }
0x8b: {  	[hbm4b:s30+s3] =	stream.linear.scatter [tilespmem:s28], [sflag:$0x4], $0x8000, $0x38;
	[tilespmem:$0x18200] =	vst v63  }
0x8c: {  	s0 =	rddreg [dreg:$0x6];
	s30 =	simm.s32 $0x100  }
0x8d: {  	[tilespmem:s30], [sflag:$0x7] =	stream.linear.gather [hbm4b:s0+s3], $0x20, $0x38;
	[tilespmem:$0x18200] =	vst v63  }
0x8e: {  	_ =	swait.ge [sflag:s9], $0x20  }
0x8f: {  	[sflag:s9] =	ssyncset.done $0x0  }
0x90: {  	[sflag:s9] =	ssyncadd.s32 $0xFFFFFFE0  }
0x91: {  	v3 =	vld [tilespmem:$0x100];
	_ =	sdelay $0x4  }
0x92: {  	v52 =	vshll.u32 v3, $0x3  }
0x93: {  	v3 =	vand.u32 $0x7, v3;
	v4 =	vand.u32 $0xFFFFFFC0, v52  }
0x94: {  	v3 =	vor.u32 v3, v4  }
0x95: {  	v4 =	vperm.xlane v3, v0;
	_ =	sdelay $0x1  }
0x96: {  	v4 =	vadd.s32 v1, v4;
	_ =	sdelay $0x4  }
0x97: {  	[tilespmem:s10], [sflag:$0x3] =	stream.indirect_vreg.gather [hbm4b:s2+s3], $0x80, v4, vm0, $0xb8;
	[tilespmem:$0x18200] =	vst v63  }
0x98: {  	s11 =	simm.s32 $0x10A00;
	v3 =	vperm.xlane v3, v2  }
0x99: {  	[tilespmem:s11], [sflag:$0x3] =	stream.indirect_vreg.gather [hbm4b:s5+s3], $0x80, v4, vm0, $0xb8;
	[tilespmem:$0x18200] =	vst v63  }
0x9a: {  	s29 =	simm.s32 $0x11200;
	v3 =	vadd.s32 v1, v3  }
0x9b: {  	[tilespmem:s29], [sflag:$0x3] =	stream.indirect_vreg.gather [hbm4b:s6+s3], $0x80, v4, vm0, $0xb8;
	[tilespmem:$0x18200] =	vst v63  }
0x9c: {  	s11 =	simm.s32 $0x11A00  }
0x9d: {  	[tilespmem:s11], [sflag:$0x3] =	stream.indirect_vreg.gather [hbm4b:s7+s3], $0x80, v4, vm0, $0xb8;
	[tilespmem:$0x18200] =	vst v63  }
0x9e: {  	_ = 	snop  }
0x9f: {  	[tilespmem:s12], [sflag:$0x3] =	stream.indirect_vreg.gather [hbm4b:s2+s3], $0x80, v3, vm0, $0xb8;
	[tilespmem:$0x18200] =	vst v63  }
0xa0: {  	_ = 	snop  }
0xa1: {  	[tilespmem:s13], [sflag:$0x3] =	stream.indirect_vreg.gather [hbm4b:s5+s3], $0x80, v3, vm0, $0xb8;
	[tilespmem:$0x18200] =	vst v63  }
0xa2: {  	_ = 	snop  }
0xa3: {  	[tilespmem:s14], [sflag:$0x3] =	stream.indirect_vreg.gather [hbm4b:s6+s3], $0x80, v3, vm0, $0xb8;
	[tilespmem:$0x18200] =	vst v63  }
0xa4: {  	_ = 	snop  }
0xa5: {  	[tilespmem:s15], [sflag:$0x3] =	stream.indirect_vreg.gather [hbm4b:s7+s3], $0x80, v3, vm0, $0xb8;
	[tilespmem:$0x18200] =	vst v63  }
0xa6: {  	v3 =	vld [tilespmem:$0x110];
	_ =	sdelay $0x4  }
0xa7: {  	v53 =	vshll.u32 v3, $0x3  }
0xa8: {  	v3 =	vand.u32 $0x7, v3;
	v4 =	vand.u32 $0xFFFFFFC0, v53  }
0xa9: {  	v3 =	vor.u32 v3, v4  }
0xaa: {  	v4 =	vperm.xlane v3, v0;
	_ =	sdelay $0x1  }
0xab: {  	v4 =	vadd.s32 v1, v4;
	_ =	sdelay $0x4  }
0xac: {  	[tilespmem:s16], [sflag:$0x3] =	stream.indirect_vreg.gather [hbm4b:s2+s3], $0x80, v4, vm0, $0xb8;
	[tilespmem:$0x18200] =	vst v63  }
0xad: {  	v3 =	vperm.xlane v3, v2  }
0xae: {  	[tilespmem:s17], [sflag:$0x3] =	stream.indirect_vreg.gather [hbm4b:s5+s3], $0x80, v4, vm0, $0xb8;
	[tilespmem:$0x18200] =	vst v63  }
0xaf: {  	v3 =	vadd.s32 v1, v3  }
0xb0: {  	[tilespmem:s18], [sflag:$0x3] =	stream.indirect_vreg.gather [hbm4b:s6+s3], $0x80, v4, vm0, $0xb8;
	[tilespmem:$0x18200] =	vst v63  }
0xb1: {  	_ = 	snop  }
0xb2: {  	[tilespmem:s19], [sflag:$0x3] =	stream.indirect_vreg.gather [hbm4b:s7+s3], $0x80, v4, vm0, $0xb8;
	[tilespmem:$0x18200] =	vst v63  }
0xb3: {  	_ = 	snop  }
0xb4: {  	[tilespmem:s21], [sflag:$0x3] =	stream.indirect_vreg.gather [hbm4b:s2+s3], $0x80, v3, vm0, $0xb8;
	[tilespmem:$0x18200] =	vst v63  }
0xb5: {  	_ = 	snop  }
0xb6: {  	[tilespmem:s24], [sflag:$0x3] =	stream.indirect_vreg.gather [hbm4b:s5+s3], $0x80, v3, vm0, $0xb8;
	[tilespmem:$0x18200] =	vst v63  }
0xb7: {  	_ = 	snop  }
0xb8: {  	[tilespmem:s31], [sflag:$0x3] =	stream.indirect_vreg.gather [hbm4b:s6+s3], $0x80, v3, vm0, $0xb8;
	[tilespmem:$0x18200] =	vst v63  }
0xb9: {  	_ = 	snop  }
0xba: {  	[tilespmem:s26], [sflag:$0x3] =	stream.indirect_vreg.gather [hbm4b:s7+s3], $0x80, v3, vm0, $0xb8;
	[tilespmem:$0x18200] =	vst v63  }
0xbb: {  	_ =	swait.ge [sflag:s22], $0x8000  }
0xbc: {  	[sflag:s22] =	ssyncset.done $0x0  }
0xbd: {  	s0 =	rddreg [dreg:$0x7];
	[sflag:s22] =	ssyncadd.s32 $0xFFFF8000  }
0xbe: {  	[hbm4b:s0+s3] =	stream.linear.scatter [tilespmem:s4], [sflag:$0x5], $0x8000, $0x38;
	[tilespmem:$0x18200] =	vst v63  }
0xbf: {  	_ =	swait.ge [sflag:s23], $0x8000  }
0xc0: {  	[sflag:s23] =	ssyncset.done $0x0  }
0xc1: {  	s0 =	rddreg [dreg:$0x8];
	[sflag:s23] =	ssyncadd.s32 $0xFFFF8000  }
0xc2: {  	[tilespmem:s3], [sflag:$0x7] =	stream.linear.gather [hbm4b:s0+s3], $0x20, $0x38;
	[tilespmem:$0x18200] =	vst v63  }
0xc3: {  	_ =	swait.ge [sflag:s9], $0x20  }
0xc4: {  	[sflag:s9] =	ssyncset.done $0x0  }
0xc5: {  	[sflag:s9] =	ssyncadd.s32 $0xFFFFFFE0  }
0xc6: {  	v3 =	vld [tilespmem:$0x0];
	_ =	sdelay $0x4  }
0xc7: {  	v54 =	vshll.u32 v3, $0x3  }
0xc8: {  	v3 =	vand.u32 $0x7, v3;
	v4 =	vand.u32 $0xFFFFFFC0, v54  }
0xc9: {  	v3 =	vor.u32 v3, v4  }
0xca: {  	v4 =	vperm.xlane v3, v0;
	_ =	sdelay $0x1  }
0xcb: {  	v4 =	vadd.s32 v1, v4;
	_ =	sdelay $0x4  }
0xcc: {  	[tilespmem:s28], [sflag:$0x1] =	stream.indirect_vreg.gather [hbm4b:s2+s3], $0x80, v4, vm0, $0xb8;
	[tilespmem:$0x18200] =	vst v63  }
0xcd: {  	s29 =	simm.s32 $0xA00;
	v3 =	vperm.xlane v3, v2  }
0xce: {  	[tilespmem:s29], [sflag:$0x1] =	stream.indirect_vreg.gather [hbm4b:s5+s3], $0x80, v4, vm0, $0xb8;
	[tilespmem:$0x18200] =	vst v63  }
0xcf: {  	v3 =	vadd.s32 v1, v3;
	s29 =	simm.s32 $0x1200  }
0xd0: {  	[tilespmem:s29], [sflag:$0x1] =	stream.indirect_vreg.gather [hbm4b:s6+s3], $0x80, v4, vm0, $0xb8;
	[tilespmem:$0x18200] =	vst v63  }
0xd1: {  	s29 =	simm.s32 $0x1A00  }
0xd2: {  	[tilespmem:s29], [sflag:$0x1] =	stream.indirect_vreg.gather [hbm4b:s7+s3], $0x80, v4, vm0, $0xb8;
	[tilespmem:$0x18200] =	vst v63  }
0xd3: {  	s29 =	simm.s32 $0x2200  }
0xd4: {  	[tilespmem:s29], [sflag:$0x1] =	stream.indirect_vreg.gather [hbm4b:s2+s3], $0x80, v3, vm0, $0xb8;
	[tilespmem:$0x18200] =	vst v63  }
0xd5: {  	s29 =	simm.s32 $0x2A00  }
0xd6: {  	[tilespmem:s29], [sflag:$0x1] =	stream.indirect_vreg.gather [hbm4b:s5+s3], $0x80, v3, vm0, $0xb8;
	[tilespmem:$0x18200] =	vst v63  }
0xd7: {  	s29 =	simm.s32 $0x3200  }
0xd8: {  	[tilespmem:s29], [sflag:$0x1] =	stream.indirect_vreg.gather [hbm4b:s6+s3], $0x80, v3, vm0, $0xb8;
	[tilespmem:$0x18200] =	vst v63  }
0xd9: {  	s29 =	simm.s32 $0x3A00  }
0xda: {  	[tilespmem:s29], [sflag:$0x1] =	stream.indirect_vreg.gather [hbm4b:s7+s3], $0x80, v3, vm0, $0xb8;
	[tilespmem:$0x18200] =	vst v63  }
0xdb: {  	v3 =	vld [tilespmem:$0x10];
	_ =	sdelay $0x4  }
0xdc: {  	v55 =	vshll.u32 v3, $0x3  }
0xdd: {  	v3 =	vand.u32 $0x7, v3;
	v4 =	vand.u32 $0xFFFFFFC0, v55  }
0xde: {  	v3 =	vor.u32 v3, v4  }
0xdf: {  	v4 =	vperm.xlane v3, v0;
	_ =	sdelay $0x1  }
0xe0: {  	v4 =	vadd.s32 v1, v4;
	_ =	sdelay $0x3  }
0xe1: {  	s29 =	simm.s32 $0x4200  }
0xe2: {  	[tilespmem:s29], [sflag:$0x1] =	stream.indirect_vreg.gather [hbm4b:s2+s3], $0x80, v4, vm0, $0xb8;
	[tilespmem:$0x18200] =	vst v63  }
0xe3: {  	v3 =	vperm.xlane v3, v2;
	s29 =	simm.s32 $0x4A00  }
0xe4: {  	[tilespmem:s29], [sflag:$0x1] =	stream.indirect_vreg.gather [hbm4b:s5+s3], $0x80, v4, vm0, $0xb8;
	[tilespmem:$0x18200] =	vst v63  }
0xe5: {  	v3 =	vadd.s32 v1, v3;
	s29 =	simm.s32 $0x5200  }
0xe6: {  	[tilespmem:s29], [sflag:$0x1] =	stream.indirect_vreg.gather [hbm4b:s6+s3], $0x80, v4, vm0, $0xb8;
	[tilespmem:$0x18200] =	vst v63  }
0xe7: {  	s29 =	simm.s32 $0x5A00  }
0xe8: {  	[tilespmem:s29], [sflag:$0x1] =	stream.indirect_vreg.gather [hbm4b:s7+s3], $0x80, v4, vm0, $0xb8;
	[tilespmem:$0x18200] =	vst v63  }
0xe9: {  	s29 =	simm.s32 $0x6200  }
0xea: {  	[tilespmem:s29], [sflag:$0x1] =	stream.indirect_vreg.gather [hbm4b:s2+s3], $0x80, v3, vm0, $0xb8;
	[tilespmem:$0x18200] =	vst v63  }
0xeb: {  	s29 =	simm.s32 $0x6A00  }
0xec: {  	[tilespmem:s29], [sflag:$0x1] =	stream.indirect_vreg.gather [hbm4b:s5+s3], $0x80, v3, vm0, $0xb8;
	[tilespmem:$0x18200] =	vst v63  }
0xed: {  	s29 =	simm.s32 $0x7200  }
0xee: {  	[tilespmem:s29], [sflag:$0x1] =	stream.indirect_vreg.gather [hbm4b:s6+s3], $0x80, v3, vm0, $0xb8;
	[tilespmem:$0x18200] =	vst v63  }
0xef: {  	s1 =	simm.s32 $0x7A00;
	s0 =	simm.s32 $0x3  }
0xf0: {  	[tilespmem:s1], [sflag:$0x1] =	stream.indirect_vreg.gather [hbm4b:s7+s3], $0x80, v3, vm0, $0xb8;
	[tilespmem:$0x18200] =	vst v63  }
0xf1: {  	_ =	swait.ge [sflag:s0], $0x8000  }
0xf2: {  	[sflag:s0] =	ssyncset.done $0x0  }
0xf3: {  	s1 =	rddreg [dreg:$0x9];
	[sflag:s0] =	ssyncadd.s32 $0xFFFF8000  }
0xf4: {  	[hbm4b:s1+s3] =	stream.linear.scatter [tilespmem:s10], [sflag:$0x6], $0x8000, $0x38;
	[tilespmem:$0x18200] =	vst v63  }
0xf5: {  	_ =	swait.ge [sflag:s25], $0x8000  }
0xf6: {  	[sflag:s25] =	ssyncset.done $0x0  }
0xf7: {  	s1 =	simm.s32 $0x80;
	s29 =	rddreg [dreg:$0xa];
	[sflag:s25] =	ssyncadd.s32 $0xFFFF8000  }
0xf8: {  	[tilespmem:s1], [sflag:$0x7] =	stream.linear.gather [hbm4b:s29+s3], $0x20, $0x38;
	[tilespmem:$0x18200] =	vst v63  }
0xf9: {  	_ =	swait.ge [sflag:s9], $0x20  }
0xfa: {  	[sflag:s9] =	ssyncset.done $0x0  }
0xfb: {  	[sflag:s9] =	ssyncadd.s32 $0xFFFFFFE0  }
0xfc: {  	v3 =	vld [tilespmem:$0x80];
	_ =	sdelay $0x4  }
0xfd: {  	v56 =	vshll.u32 v3, $0x3  }
0xfe: {  	v3 =	vand.u32 $0x7, v3;
	v4 =	vand.u32 $0xFFFFFFC0, v56  }
0xff: {  	v3 =	vor.u32 v3, v4  }
0x100: {  	v4 =	vperm.xlane v3, v0;
	_ =	sdelay $0x1  }
0x101: {  	v4 =	vadd.s32 v1, v4;
	_ =	sdelay $0x4  }
0x102: {  	[tilespmem:s4], [sflag:$0x2] =	stream.indirect_vreg.gather [hbm4b:s2+s3], $0x80, v4, vm0, $0xb8;
	[tilespmem:$0x18200] =	vst v63  }
0x103: {  	s29 =	simm.s32 $0x8A00;
	v3 =	vperm.xlane v3, v2  }
0x104: {  	[tilespmem:s29], [sflag:$0x2] =	stream.indirect_vreg.gather [hbm4b:s5+s3], $0x80, v4, vm0, $0xb8;
	[tilespmem:$0x18200] =	vst v63  }
0x105: {  	v3 =	vadd.s32 v1, v3;
	s29 =	simm.s32 $0x9200  }
0x106: {  	[tilespmem:s29], [sflag:$0x2] =	stream.indirect_vreg.gather [hbm4b:s6+s3], $0x80, v4, vm0, $0xb8;
	[tilespmem:$0x18200] =	vst v63  }
0x107: {  	s29 =	simm.s32 $0x9A00  }
0x108: {  	[tilespmem:s29], [sflag:$0x2] =	stream.indirect_vreg.gather [hbm4b:s7+s3], $0x80, v4, vm0, $0xb8;
	[tilespmem:$0x18200] =	vst v63  }
0x109: {  	s29 =	simm.s32 $0xA200  }
0x10a: {  	[tilespmem:s29], [sflag:$0x2] =	stream.indirect_vreg.gather [hbm4b:s2+s3], $0x80, v3, vm0, $0xb8;
	[tilespmem:$0x18200] =	vst v63  }
0x10b: {  	s29 =	simm.s32 $0xAA00  }
0x10c: {  	[tilespmem:s29], [sflag:$0x2] =	stream.indirect_vreg.gather [hbm4b:s5+s3], $0x80, v3, vm0, $0xb8;
	[tilespmem:$0x18200] =	vst v63  }
0x10d: {  	s29 =	simm.s32 $0xB200  }
0x10e: {  	[tilespmem:s29], [sflag:$0x2] =	stream.indirect_vreg.gather [hbm4b:s6+s3], $0x80, v3, vm0, $0xb8;
	[tilespmem:$0x18200] =	vst v63  }
0x10f: {  	s29 =	simm.s32 $0xBA00  }
0x110: {  	[tilespmem:s29], [sflag:$0x2] =	stream.indirect_vreg.gather [hbm4b:s7+s3], $0x80, v3, vm0, $0xb8;
	[tilespmem:$0x18200] =	vst v63  }
0x111: {  	v3 =	vld [tilespmem:$0x90];
	_ =	sdelay $0x4  }
0x112: {  	v57 =	vshll.u32 v3, $0x3  }
0x113: {  	v3 =	vand.u32 $0x7, v3;
	v4 =	vand.u32 $0xFFFFFFC0, v57  }
0x114: {  	v3 =	vor.u32 v3, v4  }
0x115: {  	v4 =	vperm.xlane v3, v0;
	_ =	sdelay $0x1  }
0x116: {  	v4 =	vadd.s32 v1, v4;
	_ =	sdelay $0x3  }
0x117: {  	s29 =	simm.s32 $0xC200  }
0x118: {  	[tilespmem:s29], [sflag:$0x2] =	stream.indirect_vreg.gather [hbm4b:s2+s3], $0x80, v4, vm0, $0xb8;
	[tilespmem:$0x18200] =	vst v63  }
0x119: {  	v3 =	vperm.xlane v3, v2;
	s29 =	simm.s32 $0xCA00  }
0x11a: {  	[tilespmem:s29], [sflag:$0x2] =	stream.indirect_vreg.gather [hbm4b:s5+s3], $0x80, v4, vm0, $0xb8;
	[tilespmem:$0x18200] =	vst v63  }
0x11b: {  	v3 =	vadd.s32 v1, v3;
	s29 =	simm.s32 $0xD200  }
0x11c: {  	[tilespmem:s29], [sflag:$0x2] =	stream.indirect_vreg.gather [hbm4b:s6+s3], $0x80, v4, vm0, $0xb8;
	[tilespmem:$0x18200] =	vst v63  }
0x11d: {  	s29 =	simm.s32 $0xDA00  }
0x11e: {  	[tilespmem:s29], [sflag:$0x2] =	stream.indirect_vreg.gather [hbm4b:s7+s3], $0x80, v4, vm0, $0xb8;
	[tilespmem:$0x18200] =	vst v63  }
0x11f: {  	s29 =	simm.s32 $0xE200  }
0x120: {  	[tilespmem:s29], [sflag:$0x2] =	stream.indirect_vreg.gather [hbm4b:s2+s3], $0x80, v3, vm0, $0xb8;
	[tilespmem:$0x18200] =	vst v63  }
0x121: {  	s29 =	simm.s32 $0xEA00  }
0x122: {  	[tilespmem:s29], [sflag:$0x2] =	stream.indirect_vreg.gather [hbm4b:s5+s3], $0x80, v3, vm0, $0xb8;
	[tilespmem:$0x18200] =	vst v63  }
0x123: {  	s29 =	simm.s32 $0xF200  }
0x124: {  	[tilespmem:s29], [sflag:$0x2] =	stream.indirect_vreg.gather [hbm4b:s6+s3], $0x80, v3, vm0, $0xb8;
	[tilespmem:$0x18200] =	vst v63  }
0x125: {  	s29 =	simm.s32 $0xFA00  }
0x126: {  	[tilespmem:s29], [sflag:$0x2] =	stream.indirect_vreg.gather [hbm4b:s7+s3], $0x80, v3, vm0, $0xb8;
	[tilespmem:$0x18200] =	vst v63  }
0x127: {  	_ =	swait.ge [sflag:s20], $0x8000  }
0x128: {  	[sflag:s20] =	ssyncset.done $0x0  }
0x129: {  	s1 =	rddreg [dreg:$0xb];
	[sflag:s20] =	ssyncadd.s32 $0xFFFF8000  }
0x12a: {  	[hbm4b:s1+s3] =	stream.linear.scatter [tilespmem:s28], [sflag:$0x4], $0x8000, $0x38;
	[tilespmem:$0x18200] =	vst v63  }
0x12b: {  	s1 =	simm.s32 $0x6  }
0x12c: {  	_ =	swait.ge [sflag:s1], $0x8000  }
0x12d: {  	[sflag:s1] =	ssyncset.done $0x0  }
0x12e: {  	s29 =	rddreg [dreg:$0xc];
	[sflag:s1] =	ssyncadd.s32 $0xFFFF8000  }
0x12f: {  	[tilespmem:s30], [sflag:$0x7] =	stream.linear.gather [hbm4b:s29+s3], $0x20, $0x38;
	[tilespmem:$0x18200] =	vst v63  }
0x130: {  	_ =	swait.ge [sflag:s9], $0x20  }
0x131: {  	[sflag:s9] =	ssyncset.done $0x0  }
0x132: {  	[sflag:s9] =	ssyncadd.s32 $0xFFFFFFE0  }
0x133: {  	v3 =	vld [tilespmem:$0x100];
	_ =	sdelay $0x4  }
0x134: {  	v58 =	vshll.u32 v3, $0x3  }
0x135: {  	v3 =	vand.u32 $0x7, v3;
	v4 =	vand.u32 $0xFFFFFFC0, v58  }
0x136: {  	v3 =	vor.u32 v3, v4  }
0x137: {  	v4 =	vperm.xlane v3, v0;
	_ =	sdelay $0x1  }
0x138: {  	v4 =	vadd.s32 v1, v4;
	_ =	sdelay $0x4  }
0x139: {  	[tilespmem:s10], [sflag:$0x3] =	stream.indirect_vreg.gather [hbm4b:s2+s3], $0x80, v4, vm0, $0xb8;
	[tilespmem:$0x18200] =	vst v63  }
0x13a: {  	s30 =	simm.s32 $0x10A00;
	v3 =	vperm.xlane v3, v2  }
0x13b: {  	[tilespmem:s30], [sflag:$0x3] =	stream.indirect_vreg.gather [hbm4b:s5+s3], $0x80, v4, vm0, $0xb8;
	[tilespmem:$0x18200] =	vst v63  }
0x13c: {  	v3 =	vadd.s32 v1, v3;
	s30 =	simm.s32 $0x11200  }
0x13d: {  	[tilespmem:s30], [sflag:$0x3] =	stream.indirect_vreg.gather [hbm4b:s6+s3], $0x80, v4, vm0, $0xb8;
	[tilespmem:$0x18200] =	vst v63  }
0x13e: {  	_ = 	snop  }
0x13f: {  	[tilespmem:s11], [sflag:$0x3] =	stream.indirect_vreg.gather [hbm4b:s7+s3], $0x80, v4, vm0, $0xb8;
	[tilespmem:$0x18200] =	vst v63  }
0x140: {  	_ = 	snop  }
0x141: {  	[tilespmem:s12], [sflag:$0x3] =	stream.indirect_vreg.gather [hbm4b:s2+s3], $0x80, v3, vm0, $0xb8;
	[tilespmem:$0x18200] =	vst v63  }
0x142: {  	_ = 	snop  }
0x143: {  	[tilespmem:s13], [sflag:$0x3] =	stream.indirect_vreg.gather [hbm4b:s5+s3], $0x80, v3, vm0, $0xb8;
	[tilespmem:$0x18200] =	vst v63  }
0x144: {  	_ = 	snop  }
0x145: {  	[tilespmem:s14], [sflag:$0x3] =	stream.indirect_vreg.gather [hbm4b:s6+s3], $0x80, v3, vm0, $0xb8;
	[tilespmem:$0x18200] =	vst v63  }
0x146: {  	_ = 	snop  }
0x147: {  	[tilespmem:s15], [sflag:$0x3] =	stream.indirect_vreg.gather [hbm4b:s7+s3], $0x80, v3, vm0, $0xb8;
	[tilespmem:$0x18200] =	vst v63  }
0x148: {  	v3 =	vld [tilespmem:$0x110];
	_ =	sdelay $0x4  }
0x149: {  	v59 =	vshll.u32 v3, $0x3  }
0x14a: {  	v3 =	vand.u32 $0x7, v3;
	v4 =	vand.u32 $0xFFFFFFC0, v59  }
0x14b: {  	v3 =	vor.u32 v3, v4  }
0x14c: {  	v4 =	vperm.xlane v3, v0;
	_ =	sdelay $0x1  }
0x14d: {  	v4 =	vadd.s32 v1, v4;
	_ =	sdelay $0x4  }
0x14e: {  	[tilespmem:s16], [sflag:$0x3] =	stream.indirect_vreg.gather [hbm4b:s2+s3], $0x80, v4, vm0, $0xb8;
	[tilespmem:$0x18200] =	vst v63  }
0x14f: {  	v3 =	vperm.xlane v3, v2  }
0x150: {  	[tilespmem:s17], [sflag:$0x3] =	stream.indirect_vreg.gather [hbm4b:s5+s3], $0x80, v4, vm0, $0xb8;
	[tilespmem:$0x18200] =	vst v63  }
0x151: {  	v3 =	vadd.s32 v1, v3  }
0x152: {  	[tilespmem:s18], [sflag:$0x3] =	stream.indirect_vreg.gather [hbm4b:s6+s3], $0x80, v4, vm0, $0xb8;
	[tilespmem:$0x18200] =	vst v63  }
0x153: {  	_ = 	snop  }
0x154: {  	[tilespmem:s19], [sflag:$0x3] =	stream.indirect_vreg.gather [hbm4b:s7+s3], $0x80, v4, vm0, $0xb8;
	[tilespmem:$0x18200] =	vst v63  }
0x155: {  	_ = 	snop  }
0x156: {  	[tilespmem:s21], [sflag:$0x3] =	stream.indirect_vreg.gather [hbm4b:s2+s3], $0x80, v3, vm0, $0xb8;
	[tilespmem:$0x18200] =	vst v63  }
0x157: {  	_ = 	snop  }
0x158: {  	[tilespmem:s24], [sflag:$0x3] =	stream.indirect_vreg.gather [hbm4b:s5+s3], $0x80, v3, vm0, $0xb8;
	[tilespmem:$0x18200] =	vst v63  }
0x159: {  	_ = 	snop  }
0x15a: {  	[tilespmem:s31], [sflag:$0x3] =	stream.indirect_vreg.gather [hbm4b:s6+s3], $0x80, v3, vm0, $0xb8;
	[tilespmem:$0x18200] =	vst v63  }
0x15b: {  	_ = 	snop  }
0x15c: {  	[tilespmem:s26], [sflag:$0x3] =	stream.indirect_vreg.gather [hbm4b:s7+s3], $0x80, v3, vm0, $0xb8;
	[tilespmem:$0x18200] =	vst v63  }
0x15d: {  	_ =	swait.ge [sflag:s22], $0x8000  }
0x15e: {  	[sflag:s22] =	ssyncset.done $0x0  }
0x15f: {  	s30 =	rddreg [dreg:$0xd];
	[sflag:s22] =	ssyncadd.s32 $0xFFFF8000  }
0x160: {  	[hbm4b:s30+s3] =	stream.linear.scatter [tilespmem:s4], [sflag:$0x5], $0x8000, $0x38;
	[tilespmem:$0x18200] =	vst v63  }
0x161: {  	_ =	swait.ge [sflag:s23], $0x8000  }
0x162: {  	[sflag:s23] =	ssyncset.done $0x0  }
0x163: {  	s11 =	rddreg [dreg:$0xe];
	[sflag:s23] =	ssyncadd.s32 $0xFFFF8000  }
0x164: {  	[tilespmem:s3], [sflag:$0x7] =	stream.linear.gather [hbm4b:s11+s3], $0x20, $0x38;
	[tilespmem:$0x18200] =	vst v63  }
0x165: {  	_ =	swait.ge [sflag:s9], $0x20  }
0x166: {  	[sflag:s9] =	ssyncset.done $0x0  }
0x167: {  	[sflag:s9] =	ssyncadd.s32 $0xFFFFFFE0  }
0x168: {  	v3 =	vld [tilespmem:$0x0];
	_ =	sdelay $0x4  }
0x169: {  	v60 =	vshll.u32 v3, $0x3  }
0x16a: {  	v3 =	vand.u32 $0x7, v3;
	v4 =	vand.u32 $0xFFFFFFC0, v60  }
0x16b: {  	v3 =	vor.u32 v3, v4  }
0x16c: {  	v4 =	vperm.xlane v3, v0;
	_ =	sdelay $0x1  }
0x16d: {  	v4 =	vadd.s32 v1, v4;
	_ =	sdelay $0x4  }
0x16e: {  	[tilespmem:s28], [sflag:$0x1] =	stream.indirect_vreg.gather [hbm4b:s2+s3], $0x80, v4, vm0, $0xb8;
	[tilespmem:$0x18200] =	vst v63  }
0x16f: {  	s29 =	simm.s32 $0xA00;
	v3 =	vperm.xlane v3, v2  }
0x170: {  	[tilespmem:s29], [sflag:$0x1] =	stream.indirect_vreg.gather [hbm4b:s5+s3], $0x80, v4, vm0, $0xb8;
	[tilespmem:$0x18200] =	vst v63  }
0x171: {  	s30 =	simm.s32 $0x1200;
	v3 =	vadd.s32 v1, v3  }
0x172: {  	[tilespmem:s30], [sflag:$0x1] =	stream.indirect_vreg.gather [hbm4b:s6+s3], $0x80, v4, vm0, $0xb8;
	[tilespmem:$0x18200] =	vst v63  }
0x173: {  	s29 =	simm.s32 $0x1A00  }
0x174: {  	[tilespmem:s29], [sflag:$0x1] =	stream.indirect_vreg.gather [hbm4b:s7+s3], $0x80, v4, vm0, $0xb8;
	[tilespmem:$0x18200] =	vst v63  }
0x175: {  	s30 =	simm.s32 $0x2200  }
0x176: {  	[tilespmem:s30], [sflag:$0x1] =	stream.indirect_vreg.gather [hbm4b:s2+s3], $0x80, v3, vm0, $0xb8;
	[tilespmem:$0x18200] =	vst v63  }
0x177: {  	s29 =	simm.s32 $0x2A00  }
0x178: {  	[tilespmem:s29], [sflag:$0x1] =	stream.indirect_vreg.gather [hbm4b:s5+s3], $0x80, v3, vm0, $0xb8;
	[tilespmem:$0x18200] =	vst v63  }
0x179: {  	s30 =	simm.s32 $0x3200  }
0x17a: {  	[tilespmem:s30], [sflag:$0x1] =	stream.indirect_vreg.gather [hbm4b:s6+s3], $0x80, v3, vm0, $0xb8;
	[tilespmem:$0x18200] =	vst v63  }
0x17b: {  	s29 =	simm.s32 $0x3A00  }
0x17c: {  	[tilespmem:s29], [sflag:$0x1] =	stream.indirect_vreg.gather [hbm4b:s7+s3], $0x80, v3, vm0, $0xb8;
	[tilespmem:$0x18200] =	vst v63  }
0x17d: {  	v3 =	vld [tilespmem:$0x10];
	_ =	sdelay $0x4  }
0x17e: {  	v61 =	vshll.u32 v3, $0x3  }
0x17f: {  	v3 =	vand.u32 $0x7, v3;
	v4 =	vand.u32 $0xFFFFFFC0, v61  }
0x180: {  	v3 =	vor.u32 v3, v4  }
0x181: {  	v4 =	vperm.xlane v3, v0;
	_ =	sdelay $0x1  }
0x182: {  	v4 =	vadd.s32 v1, v4;
	_ =	sdelay $0x3  }
0x183: {  	s30 =	simm.s32 $0x4200  }
0x184: {  	[tilespmem:s30], [sflag:$0x1] =	stream.indirect_vreg.gather [hbm4b:s2+s3], $0x80, v4, vm0, $0xb8;
	[tilespmem:$0x18200] =	vst v63  }
0x185: {  	s29 =	simm.s32 $0x4A00;
	v3 =	vperm.xlane v3, v2  }
0x186: {  	[tilespmem:s29], [sflag:$0x1] =	stream.indirect_vreg.gather [hbm4b:s5+s3], $0x80, v4, vm0, $0xb8;
	[tilespmem:$0x18200] =	vst v63  }
0x187: {  	v3 =	vadd.s32 v1, v3;
	s30 =	simm.s32 $0x5200  }
0x188: {  	[tilespmem:s30], [sflag:$0x1] =	stream.indirect_vreg.gather [hbm4b:s6+s3], $0x80, v4, vm0, $0xb8;
	[tilespmem:$0x18200] =	vst v63  }
0x189: {  	s29 =	simm.s32 $0x5A00  }
0x18a: {  	[tilespmem:s29], [sflag:$0x1] =	stream.indirect_vreg.gather [hbm4b:s7+s3], $0x80, v4, vm0, $0xb8;
	[tilespmem:$0x18200] =	vst v63  }
0x18b: {  	s30 =	simm.s32 $0x6200  }
0x18c: {  	[tilespmem:s30], [sflag:$0x1] =	stream.indirect_vreg.gather [hbm4b:s2+s3], $0x80, v3, vm0, $0xb8;
	[tilespmem:$0x18200] =	vst v63  }
0x18d: {  	s29 =	simm.s32 $0x6A00  }
0x18e: {  	[tilespmem:s29], [sflag:$0x1] =	stream.indirect_vreg.gather [hbm4b:s5+s3], $0x80, v3, vm0, $0xb8;
	[tilespmem:$0x18200] =	vst v63  }
0x18f: {  	s30 =	simm.s32 $0x7200  }
0x190: {  	[tilespmem:s30], [sflag:$0x1] =	stream.indirect_vreg.gather [hbm4b:s6+s3], $0x80, v3, vm0, $0xb8;
	[tilespmem:$0x18200] =	vst v63  }
0x191: {  	s29 =	simm.s32 $0x7A00  }
0x192: {  	[tilespmem:s29], [sflag:$0x1] =	stream.indirect_vreg.gather [hbm4b:s7+s3], $0x80, v3, vm0, $0xb8;
	[tilespmem:$0x18200] =	vst v63  }
0x193: {  	_ =	swait.ge [sflag:s0], $0x8000  }
0x194: {  	[sflag:s0] =	ssyncset.done $0x0  }
0x195: {  	s30 =	rddreg [dreg:$0xf];
	[sflag:s0] =	ssyncadd.s32 $0xFFFF8000  }
0x196: {  	[hbm4b:s30+s3] =	stream.linear.scatter [tilespmem:s10], [sflag:$0x6], $0x8000, $0x38;
	[tilespmem:$0x18200] =	vst v63  }
0x197: {  	_ =	swait.ge [sflag:s25], $0x8000  }
0x198: {  	[sflag:s25] =	ssyncset.done $0x0  }
0x199: {  	s30 =	simm.s32 $0x80;
	s11 =	rddreg [dreg:$0x10];
	[sflag:s25] =	ssyncadd.s32 $0xFFFF8000  }
0x19a: {  	[tilespmem:s30], [sflag:$0x7] =	stream.linear.gather [hbm4b:s11+s3], $0x20, $0x38;
	[tilespmem:$0x18200] =	vst v63  }
0x19b: {  	_ =	swait.ge [sflag:s9], $0x20  }
0x19c: {  	[sflag:s9] =	ssyncset.done $0x0  }
0x19d: {  	[sflag:s9] =	ssyncadd.s32 $0xFFFFFFE0  }
0x19e: {  	v3 =	vld [tilespmem:$0x80];
	_ =	sdelay $0x4  }
0x19f: {  	v62 =	vshll.u32 v3, $0x3  }
0x1a0: {  	v3 =	vand.u32 $0x7, v3;
	v4 =	vand.u32 $0xFFFFFFC0, v62  }
0x1a1: {  	v3 =	vor.u32 v3, v4  }
0x1a2: {  	v4 =	vperm.xlane v3, v0;
	_ =	sdelay $0x1  }
0x1a3: {  	v4 =	vadd.s32 v1, v4;
	_ =	sdelay $0x4  }
0x1a4: {  	[tilespmem:s4], [sflag:$0x2] =	stream.indirect_vreg.gather [hbm4b:s2+s3], $0x80, v4, vm0, $0xb8;
	[tilespmem:$0x18200] =	vst v63  }
0x1a5: {  	s11 =	simm.s32 $0x8A00;
	v3 =	vperm.xlane v3, v2  }
0x1a6: {  	[tilespmem:s11], [sflag:$0x2] =	stream.indirect_vreg.gather [hbm4b:s5+s3], $0x80, v4, vm0, $0xb8;
	[tilespmem:$0x18200] =	vst v63  }
0x1a7: {  	s29 =	simm.s32 $0x9200;
	v3 =	vadd.s32 v1, v3  }
0x1a8: {  	[tilespmem:s29], [sflag:$0x2] =	stream.indirect_vreg.gather [hbm4b:s6+s3], $0x80, v4, vm0, $0xb8;
	[tilespmem:$0x18200] =	vst v63  }
0x1a9: {  	s30 =	simm.s32 $0x9A00  }
0x1aa: {  	[tilespmem:s30], [sflag:$0x2] =	stream.indirect_vreg.gather [hbm4b:s7+s3], $0x80, v4, vm0, $0xb8;
	[tilespmem:$0x18200] =	vst v63  }
0x1ab: {  	s11 =	simm.s32 $0xA200  }
0x1ac: {  	[tilespmem:s11], [sflag:$0x2] =	stream.indirect_vreg.gather [hbm4b:s2+s3], $0x80, v3, vm0, $0xb8;
	[tilespmem:$0x18200] =	vst v63  }
0x1ad: {  	s29 =	simm.s32 $0xAA00  }
0x1ae: {  	[tilespmem:s29], [sflag:$0x2] =	stream.indirect_vreg.gather [hbm4b:s5+s3], $0x80, v3, vm0, $0xb8;
	[tilespmem:$0x18200] =	vst v63  }
0x1af: {  	s30 =	simm.s32 $0xB200  }
0x1b0: {  	[tilespmem:s30], [sflag:$0x2] =	stream.indirect_vreg.gather [hbm4b:s6+s3], $0x80, v3, vm0, $0xb8;
	[tilespmem:$0x18200] =	vst v63  }
0x1b1: {  	s11 =	simm.s32 $0xBA00  }
0x1b2: {  	[tilespmem:s11], [sflag:$0x2] =	stream.indirect_vreg.gather [hbm4b:s7+s3], $0x80, v3, vm0, $0xb8;
	[tilespmem:$0x18200] =	vst v63  }
0x1b3: {  	v3 =	vld [tilespmem:$0x90];
	_ =	sdelay $0x4  }
0x1b4: {  	v63 =	vshll.u32 v3, $0x3  }
0x1b5: {  	v3 =	vand.u32 $0x7, v3;
	v4 =	vand.u32 $0xFFFFFFC0, v63  }
0x1b6: {  	v3 =	vor.u32 v3, v4  }
0x1b7: {  	v4 =	vperm.xlane v3, v0;
	_ =	sdelay $0x1  }
0x1b8: {  	v4 =	vadd.s32 v1, v4;
	_ =	sdelay $0x3  }
0x1b9: {  	s29 =	simm.s32 $0xC200  }
0x1ba: {  	[tilespmem:s29], [sflag:$0x2] =	stream.indirect_vreg.gather [hbm4b:s2+s3], $0x80, v4, vm0, $0xb8;
	[tilespmem:$0x18200] =	vst v63  }
0x1bb: {  	s30 =	simm.s32 $0xCA00;
	v3 =	vperm.xlane v3, v2  }
0x1bc: {  	[tilespmem:s30], [sflag:$0x2] =	stream.indirect_vreg.gather [hbm4b:s5+s3], $0x80, v4, vm0, $0xb8;
	[tilespmem:$0x18200] =	vst v63  }
0x1bd: {  	s11 =	simm.s32 $0xD200;
	v3 =	vadd.s32 v1, v3  }
0x1be: {  	[tilespmem:s11], [sflag:$0x2] =	stream.indirect_vreg.gather [hbm4b:s6+s3], $0x80, v4, vm0, $0xb8;
	[tilespmem:$0x18200] =	vst v63  }
0x1bf: {  	s29 =	simm.s32 $0xDA00  }
0x1c0: {  	[tilespmem:s29], [sflag:$0x2] =	stream.indirect_vreg.gather [hbm4b:s7+s3], $0x80, v4, vm0, $0xb8;
	[tilespmem:$0x18200] =	vst v63  }
0x1c1: {  	s30 =	simm.s32 $0xE200  }
0x1c2: {  	[tilespmem:s30], [sflag:$0x2] =	stream.indirect_vreg.gather [hbm4b:s2+s3], $0x80, v3, vm0, $0xb8;
	[tilespmem:$0x18200] =	vst v63  }
0x1c3: {  	s11 =	simm.s32 $0xEA00  }
0x1c4: {  	[tilespmem:s11], [sflag:$0x2] =	stream.indirect_vreg.gather [hbm4b:s5+s3], $0x80, v3, vm0, $0xb8;
	[tilespmem:$0x18200] =	vst v63  }
0x1c5: {  	s29 =	simm.s32 $0xF200  }
0x1c6: {  	[tilespmem:s29], [sflag:$0x2] =	stream.indirect_vreg.gather [hbm4b:s6+s3], $0x80, v3, vm0, $0xb8;
	[tilespmem:$0x18200] =	vst v63  }
0x1c7: {  	s30 =	simm.s32 $0xFA00  }
0x1c8: {  	[tilespmem:s30], [sflag:$0x2] =	stream.indirect_vreg.gather [hbm4b:s7+s3], $0x80, v3, vm0, $0xb8;
	[tilespmem:$0x18200] =	vst v63  }
0x1c9: {  	_ =	swait.ge [sflag:s20], $0x8000  }
0x1ca: {  	[sflag:s20] =	ssyncset.done $0x0  }
0x1cb: {  	s11 =	rddreg [dreg:$0x11];
	[sflag:s20] =	ssyncadd.s32 $0xFFFF8000  }
0x1cc: {  	[hbm4b:s11+s3] =	stream.linear.scatter [tilespmem:s28], [sflag:$0x4], $0x8000, $0x38;
	[tilespmem:$0x18200] =	vst v63  }
0x1cd: {  	_ =	swait.ge [sflag:s22], $0x8000  }
0x1ce: {  	[sflag:s22] =	ssyncset.done $0x0  }
0x1cf: {  	s30 =	rddreg [dreg:$0x12];
	[sflag:s22] =	ssyncadd.s32 $0xFFFF8000  }
0x1d0: {  	[hbm4b:s30+s3] =	stream.linear.scatter [tilespmem:s4], [sflag:$0x5], $0x8000, $0x38;
	[tilespmem:$0x18200] =	vst v63  }
0x1d1: {  	_ =	swait.ge [sflag:s1], $0x8000  }
0x1d2: {  	[sflag:s1] =	ssyncset.done $0x0  }
0x1d3: {  	[sflag:s1] =	ssyncadd.s32 $0xFFFF8000  }
0x1d4: {  	p0 =	sne.s32 s8, $0x1;
	_ =	swait.ge [sflag:s23], $0x8000  }
.Ltmp0:
0x1d5: {  	[sflag:s23] =	ssyncset.done $0x0;
	(pc) =	sbr.rel @p0 .LBB2_1-.Ltmp0, $4  }
0x1d6: {  	[sflag:s23] =	ssyncadd.s32 $0xFFFF8000  }
0x1d7: {  	_ =	swait.ge [sflag:s25], $0x8000  }
0x1d8: {  	[sflag:s25] =	ssyncset.done $0x0  }
0x1d9: {  	s8 =	sadd.s32 $0xFFFFFFFF, s8;
	[sflag:s25] =	ssyncadd.s32 $0xFFFF8000  }
0x1da: {  	_ =	sfence.sel $0x180000  }
0x1db: {  	[bflag:$0x0] =	sbarrier.arrive $0xFFFF  }
0x1dc: {  	_ =	strace $0x90000047  }
0x1dd: {  	s0 =	stileid.u32;
	[bflag:$0x2] =	sbarrier.arrive $0xFFFF  }
0x1de: {  	p0 =	sne.s32 s0, $0x0;
	s0 =	rddreg [dreg:$0x3]  }
0x1df: {  	s0 =	sadd.s32 @!p0 $0x100000, s0  }
0x1e0: {  	[sflag:s0] =	ssyncadd.tile.s32 @!p0 $0x1;
	_ =	shalt  }
.Lfunc_end2:
_tile_overlayer_lowered:
.L_overlay_start_2:
0x1e1: {  	(tag) =	ssettag $0x2  }
0x1e2: {  	s0 =	rddreg [dreg:$0x0];
	s2 =	stileid.u32  }
0x1e3: {  	s1 =	rddreg [dreg:$0x1];
	p0 =	sne.s32 s2, $0x0  }
0x1e4: {  	s3 =	rddreg [dreg:$0x2];
	[bflag:$0x3] =	sbarrier.arrive $0xFFFF;
	s2 =	simm.s32 @!p0 $0x1C07  }
0x1e5: {  	[timem:s3], [sflag:s2] =	dma.local @!p0 [hbm:s0], s1  }
0x1e6: {  	s0 =	simm.s32 @!p0 $0x7  }
0x1e7: {  	_ =	swait.ge @!p0 [sflag:s0], s1  }
0x1e8: {  	s1 =	ssub.s32 @!p0 $0x0, s1;
	[sflag:s0] =	ssyncset.done @!p0 $0x0  }
0x1e9: {  	[sflag:s0] =	ssyncadd.s32 @!p0 s1  }
0x1ea: {  	[bflag:$0x3] =	sbarrier.arrive $0xFFFF  }
0x1eb: {  	_ =	shalt  }

</sc_bundles>
